<compile_context>
chip_gen: v7x
topology: tpu7x:2x2x1
jax: 0.10.2.dev20260603
libtpu: 0.0.44.dev20260713+nightly
codegen_flags: <defaults>
</compile_context>

<pallas_src>
import functools

import jax
import jax.numpy as jnp
from jax import lax
from jax.experimental import pallas as pl
from jax.experimental.pallas import tpu as pltpu
from jax.experimental.pallas import tpu_sc as plsc

B = 320000
D = 128
NC, NS, L = 2, 16, 16
NW = NC * NS
EPW = B // NW
C = 80
NCHUNK = EPW // C
TPAD = 17

_mesh = plsc.VectorSubcoreMesh(core_axis_name="c", subcore_axis_name="s")


def _edge_partial(ub, mb, e):
    p = [ub[e, pl.ds(16 * j, 16)] * mb[e, pl.ds(16 * j, 16)] for j in range(8)]
    s0 = p[0] + p[1]
    s1 = p[2] + p[3]
    s2 = p[4] + p[5]
    s3 = p[6] + p[7]
    return (s0 + s1) + (s2 + s3)


def _dot_chunk(ub, mb, ob, tmat, out_off):
    rows = lax.iota(jnp.int32, L) * TPAD

    def group_body(g, _):
        eb = g * L
        for t in range(L):
            tmat[pl.ds(t * TPAD, L)] = _edge_partial(ub, mb, eb + t)
        res = plsc.load_gather(tmat, [rows])
        for c in range(1, L):
            res = res + plsc.load_gather(tmat, [rows + c])
        ob[pl.ds(out_off + eb, L)] = res
        return 0

    lax.fori_loop(0, C // L, group_body, 0)


@functools.partial(
    pl.kernel,
    mesh=_mesh,
    out_type=jax.ShapeDtypeStruct((B,), jnp.float32),
    compiler_params=pltpu.CompilerParams(needs_layout_passes=False),
    scratch_types=[
        pltpu.VMEM((EPW,), jnp.int32),
        pltpu.VMEM((EPW,), jnp.int32),
        pltpu.VMEM((C, D), jnp.float32),
        pltpu.VMEM((C, D), jnp.float32),
        pltpu.VMEM((C, D), jnp.float32),
        pltpu.VMEM((C, D), jnp.float32),
        pltpu.VMEM((EPW,), jnp.float32),
        pltpu.VMEM((L * TPAD,), jnp.float32),
        pltpu.SemaphoreType.DMA,
        pltpu.SemaphoreType.DMA,
    ],
)
def _sc_scores(xu, xm, iu, im, out, iu_v, im_v, ua, ma, ub, mb, ob, tmat,
               sem_a, sem_b):
    wid = lax.axis_index("s") * NC + lax.axis_index("c")
    base = wid * EPW
    pltpu.sync_copy(iu.at[pl.ds(base, EPW)], iu_v)
    pltpu.sync_copy(im.at[pl.ds(base, EPW)], im_v)

    def issue(k, u_buf, m_buf, sem):
        pltpu.async_copy(xu.at[iu_v.at[pl.ds(k * C, C)]], u_buf, sem)
        pltpu.async_copy(xm.at[im_v.at[pl.ds(k * C, C)]], m_buf, sem)

    def drain(u_buf, m_buf, sem):
        pltpu.make_async_copy(xu.at[pl.ds(0, C)], u_buf, sem).wait()
        pltpu.make_async_copy(xm.at[pl.ds(0, C)], m_buf, sem).wait()

    issue(0, ua, ma, sem_a)
    drain(ua, ma, sem_a)

    def body(k, _):
        _dot_chunk(ua, ma, ob, tmat, k * C)
        return 0

    lax.fori_loop(0, NCHUNK, body, 0)
    pltpu.sync_copy(ob, out.at[pl.ds(base, EPW)])


def kernel(x_user, x_movie, edge_label_index):
    idx = edge_label_index.astype(jnp.int32)
    return _sc_scores(x_user, x_movie, idx[0], idx[1])

# --- scband reference (transcript-rebuilt; emitter-appended) ---
"""Pipeline reference for scband-classifier-34411277976465 (READ-ONLY COPY).

The authoritative reference and input builder live on the scoring server;
editing this copy changes nothing except your own understanding.
"""

import jax, jax.numpy as jnp
import numpy as np


def setup_inputs(seed: int = 0) -> dict:
    key = jax.random.key(seed)
    k1, k2, k3 = jax.random.split(key, 3)
    x_user = jax.random.normal(k1, (50000, 128), dtype=jnp.float32)
    x_movie = jax.random.normal(k2, (50000, 128), dtype=jnp.float32)
    edge_label_index = jax.random.randint(k3, (2, 320000), 0, 50000, dtype=jnp.int64)
    return {"x_user": x_user, "x_movie": x_movie, "edge_label_index": edge_label_index}


def reference(x_user, x_movie, edge_label_index):
    # Gather per-edge endpoint features (embedding lookup)
    edge_feat_user = jnp.take(x_user, edge_label_index[0], axis=0)
    edge_feat_movie = jnp.take(x_movie, edge_label_index[1], axis=0)
    # Dot-product link score per edge
    return (edge_feat_user * edge_feat_movie).sum(axis=-1)

if __name__ == "__main__":
    import jax
    _d = setup_inputs()
    print(jax.jit(kernel)(*tuple(_d.values())))

</pallas_src>

<mosaic_0001>
#map = affine_map<(d0, d1) -> (0, 0)>
#map1 = affine_map<(d0, d1) -> (0)>
module attributes {stable_mosaic.version = 14 : i64} {
  func.func @_sc_scores(%arg0: i32, %arg1: i32, %arg2: memref<50000x128xf32, #tpu.memory_space<hbm>>, %arg3: memref<50000x128xf32, #tpu.memory_space<hbm>>, %arg4: memref<320000xi32, #tpu.memory_space<hbm>>, %arg5: memref<320000xi32, #tpu.memory_space<hbm>>, %arg6: memref<320000xf32, #tpu.memory_space<hbm>>, %arg7: memref<10000xi32, #tpu.memory_space<vmem>>, %arg8: memref<10000xi32, #tpu.memory_space<vmem>>, %arg9: memref<80x128xf32, #tpu.memory_space<vmem>>, %arg10: memref<80x128xf32, #tpu.memory_space<vmem>>, %arg11: memref<80x128xf32, #tpu.memory_space<vmem>>, %arg12: memref<80x128xf32, #tpu.memory_space<vmem>>, %arg13: memref<10000xf32, #tpu.memory_space<vmem>>, %arg14: memref<272xf32, #tpu.memory_space<vmem>>, %arg15: memref<!tpu.dma_semaphore, #tpu.memory_space<semaphore_mem>>, %arg16: memref<!tpu.dma_semaphore, #tpu.memory_space<semaphore_mem>>) attributes {dimension_semantics = [#tpu.dimension_semantics<core_parallel>, #tpu.dimension_semantics<subcore_parallel>], iteration_bounds = array<i64: 2, 16>, scalar_prefetch = 0 : i64, scratch_operands = 10 : i64, tpu.core_type = #tpu.core_type<sc_vector_subcore>, window_params = [{transform_indices = #map}, {transform_indices = #map}, {transform_indices = #map1}, {transform_indices = #map1}, {transform_indices = #map1}]} {
    %mul3A = arith.constant 2 : i32
    %mul3A_0 = arith.muli %arg1, %mul3A : i32
    %add3A = arith.addi %mul3A_0, %arg0 : i32
    %mul3A_1 = arith.constant 10000 : i32
    %mul3A_2 = arith.muli %add3A, %mul3A_1 : i32
    "tpu.region"() ({
      %run_scoped3A = tpu.sem_alloc : memref<!tpu.dma_semaphore, #tpu.memory_space<semaphore_mem>>
      %dma_start3A_29 = tpu.memref_slice %arg4[%mul3A_2] : memref<320000xi32, #tpu.memory_space<hbm>> -> memref<10000xi32, #tpu.memory_space<hbm>>
      %dma_start3A_30 = tpu.memref_slice %arg4[%mul3A_2] : memref<320000xi32, #tpu.memory_space<hbm>> -> memref<10000xi32, #tpu.memory_space<hbm>>
      tpu.enqueue_dma source(%dma_start3A_30 : memref<10000xi32, #tpu.memory_space<hbm>>) target(%arg7 : memref<10000xi32, #tpu.memory_space<vmem>>) target_semaphore(%run_scoped3A : memref<!tpu.dma_semaphore, #tpu.memory_space<semaphore_mem>>)
      %dma_wait3A_31 = tpu.memref_slice %arg4[%mul3A_2] : memref<320000xi32, #tpu.memory_space<hbm>> -> memref<10000xi32, #tpu.memory_space<hbm>>
      %dma_wait3A_32 = tpu.memref_slice %arg4[%mul3A_2] : memref<320000xi32, #tpu.memory_space<hbm>> -> memref<10000xi32, #tpu.memory_space<hbm>>
      tpu.wait_dma2 semaphore(%run_scoped3A : memref<!tpu.dma_semaphore, #tpu.memory_space<semaphore_mem>>) src(%dma_wait3A_32 : memref<10000xi32, #tpu.memory_space<hbm>>) dst(%arg7 : memref<10000xi32, #tpu.memory_space<vmem>>)
      tpu.yield
    }) : () -> ()
    "tpu.region"() ({
      %run_scoped3A = tpu.sem_alloc : memref<!tpu.dma_semaphore, #tpu.memory_space<semaphore_mem>>
      %dma_start3A_29 = tpu.memref_slice %arg5[%mul3A_2] : memref<320000xi32, #tpu.memory_space<hbm>> -> memref<10000xi32, #tpu.memory_space<hbm>>
      %dma_start3A_30 = tpu.memref_slice %arg5[%mul3A_2] : memref<320000xi32, #tpu.memory_space<hbm>> -> memref<10000xi32, #tpu.memory_space<hbm>>
      tpu.enqueue_dma source(%dma_start3A_30 : memref<10000xi32, #tpu.memory_space<hbm>>) target(%arg8 : memref<10000xi32, #tpu.memory_space<vmem>>) target_semaphore(%run_scoped3A : memref<!tpu.dma_semaphore, #tpu.memory_space<semaphore_mem>>)
      %dma_wait3A_31 = tpu.memref_slice %arg5[%mul3A_2] : memref<320000xi32, #tpu.memory_space<hbm>> -> memref<10000xi32, #tpu.memory_space<hbm>>
      %dma_wait3A_32 = tpu.memref_slice %arg5[%mul3A_2] : memref<320000xi32, #tpu.memory_space<hbm>> -> memref<10000xi32, #tpu.memory_space<hbm>>
      tpu.wait_dma2 semaphore(%run_scoped3A : memref<!tpu.dma_semaphore, #tpu.memory_space<semaphore_mem>>) src(%dma_wait3A_32 : memref<10000xi32, #tpu.memory_space<hbm>>) dst(%arg8 : memref<10000xi32, #tpu.memory_space<vmem>>)
      tpu.yield
    }) : () -> ()
    %dma_start3A = arith.constant 0 : i32
    %dma_start3A_3 = tpu.memref_slice %arg7[%dma_start3A] : memref<10000xi32, #tpu.memory_space<vmem>> -> memref<80xi32, #tpu.memory_space<vmem>>
    %dma_start3A_4 = arith.constant 0 : i32
    %dma_start3A_5 = arith.constant 0 : i32
    %dma_start3A_6 = tpu.memref_slice %arg2[%dma_start3A_4, %dma_start3A_5] : memref<50000x128xf32, #tpu.memory_space<hbm>> -> memref<50000x128xf32, #tpu.memory_space<hbm>>
    tpu.enqueue_indirect_dma source(%dma_start3A_6 : memref<50000x128xf32, #tpu.memory_space<hbm>>) target(%arg9 : memref<80x128xf32, #tpu.memory_space<vmem>>) offsets(%dma_start3A_3 : memref<80xi32, #tpu.memory_space<vmem>>) semaphore(%arg15 : memref<!tpu.dma_semaphore, #tpu.memory_space<semaphore_mem>>)
    %dma_start3A_7 = arith.constant 0 : i32
    %dma_start3A_8 = tpu.memref_slice %arg8[%dma_start3A_7] : memref<10000xi32, #tpu.memory_space<vmem>> -> memref<80xi32, #tpu.memory_space<vmem>>
    %dma_start3A_9 = arith.constant 0 : i32
    %dma_start3A_10 = arith.constant 0 : i32
    %dma_start3A_11 = tpu.memref_slice %arg3[%dma_start3A_9, %dma_start3A_10] : memref<50000x128xf32, #tpu.memory_space<hbm>> -> memref<50000x128xf32, #tpu.memory_space<hbm>>
    tpu.enqueue_indirect_dma source(%dma_start3A_11 : memref<50000x128xf32, #tpu.memory_space<hbm>>) target(%arg10 : memref<80x128xf32, #tpu.memory_space<vmem>>) offsets(%dma_start3A_8 : memref<80xi32, #tpu.memory_space<vmem>>) semaphore(%arg15 : memref<!tpu.dma_semaphore, #tpu.memory_space<semaphore_mem>>)
    %dma_wait3A = arith.constant 0 : i32
    %dma_wait3A_12 = arith.constant 0 : i32
    %dma_wait3A_13 = tpu.memref_slice %arg2[%dma_wait3A, %dma_wait3A_12] : memref<50000x128xf32, #tpu.memory_space<hbm>> -> memref<80x128xf32, #tpu.memory_space<hbm>>
    %dma_wait3A_14 = arith.constant 0 : i32
    %dma_wait3A_15 = arith.constant 0 : i32
    %dma_wait3A_16 = tpu.memref_slice %arg2[%dma_wait3A_14, %dma_wait3A_15] : memref<50000x128xf32, #tpu.memory_space<hbm>> -> memref<80x128xf32, #tpu.memory_space<hbm>>
    tpu.wait_dma2 semaphore(%arg15 : memref<!tpu.dma_semaphore, #tpu.memory_space<semaphore_mem>>) src(%dma_wait3A_16 : memref<80x128xf32, #tpu.memory_space<hbm>>) dst(%arg9 : memref<80x128xf32, #tpu.memory_space<vmem>>)
    %dma_wait3A_17 = arith.constant 0 : i32
    %dma_wait3A_18 = arith.constant 0 : i32
    %dma_wait3A_19 = tpu.memref_slice %arg3[%dma_wait3A_17, %dma_wait3A_18] : memref<50000x128xf32, #tpu.memory_space<hbm>> -> memref<80x128xf32, #tpu.memory_space<hbm>>
    %dma_wait3A_20 = arith.constant 0 : i32
    %dma_wait3A_21 = arith.constant 0 : i32
    %dma_wait3A_22 = tpu.memref_slice %arg3[%dma_wait3A_20, %dma_wait3A_21] : memref<50000x128xf32, #tpu.memory_space<hbm>> -> memref<80x128xf32, #tpu.memory_space<hbm>>
    tpu.wait_dma2 semaphore(%arg15 : memref<!tpu.dma_semaphore, #tpu.memory_space<semaphore_mem>>) src(%dma_wait3A_22 : memref<80x128xf32, #tpu.memory_space<hbm>>) dst(%arg10 : memref<80x128xf32, #tpu.memory_space<vmem>>)
    %scan3A = arith.constant 0 : i32
    %scan3A_23 = arith.constant 0 : i32
    %scan3A_24 = arith.constant 125 : i32
    %scan3A_25 = arith.addi %scan3A_23, %scan3A_24 : i32
    %scan3A_26 = arith.constant 1 : i32
    %scan3A_27 = scf.for %scan3A_29 = %scan3A_23 to %scan3A_25 step %scan3A_26 iter_args(%scan3A_30 = %scan3A) -> (i32)  : i32 {
      %mul3A_31 = arith.constant 80 : i32
      %mul3A_32 = arith.muli %scan3A_29, %mul3A_31 : i32
      %iota3A = tpu.iota {dimensions = array<i32: 0>} : vector<16xi32>
      %mul3A_33 = arith.constant 17 : i32
      %mul3A_34 = vector.broadcast %mul3A_33 : i32 to vector<16xi32>
      %mul3A_35 = arith.muli %iota3A, %mul3A_34 : vector<16xi32>
      %scan3A_36 = arith.constant 0 : i32
      %scan3A_37 = arith.constant 0 : i32
      %scan3A_38 = arith.constant 5 : i32
      %scan3A_39 = arith.addi %scan3A_37, %scan3A_38 : i32
      %scan3A_40 = arith.constant 1 : i32
      %scan3A_41 = scf.for %scan3A_44 = %scan3A_37 to %scan3A_39 step %scan3A_40 iter_args(%scan3A_45 = %scan3A_36) -> (i32)  : i32 {
        %mul3A_46 = arith.constant 16 : i32
        %mul3A_47 = arith.muli %scan3A_44, %mul3A_46 : i32
        %add3A_48 = arith.constant 0 : i32
        %add3A_49 = arith.addi %mul3A_47, %add3A_48 : i32
        %get3A = arith.index_cast %add3A_49 : i32 to index
        %get3A_50 = arith.constant 0 : index
        %get3A_51 = tpu.vector_load %arg9[%get3A, %get3A_50] {strides = array<i32>} : memref<80x128xf32, #tpu.memory_space<vmem>>, vector<16xf32>,
        %get3A_52 = arith.index_cast %add3A_49 : i32 to index
        %get3A_53 = arith.constant 0 : index
        %get3A_54 = tpu.vector_load %arg10[%get3A_52, %get3A_53] {strides = array<i32>} : memref<80x128xf32, #tpu.memory_space<vmem>>, vector<16xf32>,
        %mul3A_55 = arith.mulf %get3A_51, %get3A_54 : vector<16xf32>
        %get3A_56 = arith.index_cast %add3A_49 : i32 to index
        %get3A_57 = arith.constant 16 : index
        %get3A_58 = tpu.vector_load %arg9[%get3A_56, %get3A_57] {strides = array<i32>} : memref<80x128xf32, #tpu.memory_space<vmem>>, vector<16xf32>,
        %get3A_59 = arith.index_cast %add3A_49 : i32 to index
        %get3A_60 = arith.constant 16 : index
        %get3A_61 = tpu.vector_load %arg10[%get3A_59, %get3A_60] {strides = array<i32>} : memref<80x128xf32, #tpu.memory_space<vmem>>, vector<16xf32>,
        %mul3A_62 = arith.mulf %get3A_58, %get3A_61 : vector<16xf32>
        %get3A_63 = arith.index_cast %add3A_49 : i32 to index
        %get3A_64 = arith.constant 32 : index
        %get3A_65 = tpu.vector_load %arg9[%get3A_63, %get3A_64] {strides = array<i32>} : memref<80x128xf32, #tpu.memory_space<vmem>>, vector<16xf32>,
        %get3A_66 = arith.index_cast %add3A_49 : i32 to index
        %get3A_67 = arith.constant 32 : index
        %get3A_68 = tpu.vector_load %arg10[%get3A_66, %get3A_67] {strides = array<i32>} : memref<80x128xf32, #tpu.memory_space<vmem>>, vector<16xf32>,
        %mul3A_69 = arith.mulf %get3A_65, %get3A_68 : vector<16xf32>
        %get3A_70 = arith.index_cast %add3A_49 : i32 to index
        %get3A_71 = arith.constant 48 : index
        %get3A_72 = tpu.vector_load %arg9[%get3A_70, %get3A_71] {strides = array<i32>} : memref<80x128xf32, #tpu.memory_space<vmem>>, vector<16xf32>,
        %get3A_73 = arith.index_cast %add3A_49 : i32 to index
        %get3A_74 = arith.constant 48 : index
        %get3A_75 = tpu.vector_load %arg10[%get3A_73, %get3A_74] {strides = array<i32>} : memref<80x128xf32, #tpu.memory_space<vmem>>, vector<16xf32>,
        %mul3A_76 = arith.mulf %get3A_72, %get3A_75 : vector<16xf32>
        %get3A_77 = arith.index_cast %add3A_49 : i32 to index
        %get3A_78 = arith.constant 64 : index
        %get3A_79 = tpu.vector_load %arg9[%get3A_77, %get3A_78] {strides = array<i32>} : memref<80x128xf32, #tpu.memory_space<vmem>>, vector<16xf32>,
        %get3A_80 = arith.index_cast %add3A_49 : i32 to index
        %get3A_81 = arith.constant 64 : index
        %get3A_82 = tpu.vector_load %arg10[%get3A_80, %get3A_81] {strides = array<i32>} : memref<80x128xf32, #tpu.memory_space<vmem>>, vector<16xf32>,
        %mul3A_83 = arith.mulf %get3A_79, %get3A_82 : vector<16xf32>
        %get3A_84 = arith.index_cast %add3A_49 : i32 to index
        %get3A_85 = arith.constant 80 : index
        %get3A_86 = tpu.vector_load %arg9[%get3A_84, %get3A_85] {strides = array<i32>} : memref<80x128xf32, #tpu.memory_space<vmem>>, vector<16xf32>,
        %get3A_87 = arith.index_cast %add3A_49 : i32 to index
        %get3A_88 = arith.constant 80 : index
        %get3A_89 = tpu.vector_load %arg10[%get3A_87, %get3A_88] {strides = array<i32>} : memref<80x128xf32, #tpu.memory_space<vmem>>, vector<16xf32>,
        %mul3A_90 = arith.mulf %get3A_86, %get3A_89 : vector<16xf32>
        %get3A_91 = arith.index_cast %add3A_49 : i32 to index
        %get3A_92 = arith.constant 96 : index
        %get3A_93 = tpu.vector_load %arg9[%get3A_91, %get3A_92] {strides = array<i32>} : memref<80x128xf32, #tpu.memory_space<vmem>>, vector<16xf32>,
        %get3A_94 = arith.index_cast %add3A_49 : i32 to index
        %get3A_95 = arith.constant 96 : index
        %get3A_96 = tpu.vector_load %arg10[%get3A_94, %get3A_95] {strides = array<i32>} : memref<80x128xf32, #tpu.memory_space<vmem>>, vector<16xf32>,
        %mul3A_97 = arith.mulf %get3A_93, %get3A_96 : vector<16xf32>
        %get3A_98 = arith.index_cast %add3A_49 : i32 to index
        %get3A_99 = arith.constant 112 : index
        %get3A_100 = tpu.vector_load %arg9[%get3A_98, %get3A_99] {strides = array<i32>} : memref<80x128xf32, #tpu.memory_space<vmem>>, vector<16xf32>,
        %get3A_101 = arith.index_cast %add3A_49 : i32 to index
        %get3A_102 = arith.constant 112 : index
        %get3A_103 = tpu.vector_load %arg10[%get3A_101, %get3A_102] {strides = array<i32>} : memref<80x128xf32, #tpu.memory_space<vmem>>, vector<16xf32>,
        %mul3A_104 = arith.mulf %get3A_100, %get3A_103 : vector<16xf32>
        %add3A_105 = arith.addf %mul3A_55, %mul3A_62 : vector<16xf32>
        %add3A_106 = arith.addf %mul3A_69, %mul3A_76 : vector<16xf32>
        %add3A_107 = arith.addf %mul3A_83, %mul3A_90 : vector<16xf32>
        %add3A_108 = arith.addf %mul3A_97, %mul3A_104 : vector<16xf32>
        %add3A_109 = arith.addf %add3A_105, %add3A_106 : vector<16xf32>
        %add3A_110 = arith.addf %add3A_107, %add3A_108 : vector<16xf32>
        %add3A_111 = arith.addf %add3A_109, %add3A_110 : vector<16xf32>
        %swap3A = arith.constant 0 : index
        %swap3A_112 = tpu.vector_load %arg14[%swap3A] {strides = array<i32>} : memref<272xf32, #tpu.memory_space<vmem>>, vector<16xf32>,
        tpu.vector_store %arg14[%swap3A], %add3A_111 {strides = array<i32>} : memref<272xf32, #tpu.memory_space<vmem>>, vector<16xf32>,
        %add3A_113 = arith.constant 1 : i32
        %add3A_114 = arith.addi %mul3A_47, %add3A_113 : i32
        %get3A_115 = arith.index_cast %add3A_114 : i32 to index
        %get3A_116 = arith.constant 0 : index
        %get3A_117 = tpu.vector_load %arg9[%get3A_115, %get3A_116] {strides = array<i32>} : memref<80x128xf32, #tpu.memory_space<vmem>>, vector<16xf32>,
        %get3A_118 = arith.index_cast %add3A_114 : i32 to index
        %get3A_119 = arith.constant 0 : index
        %get3A_120 = tpu.vector_load %arg10[%get3A_118, %get3A_119] {strides = array<i32>} : memref<80x128xf32, #tpu.memory_space<vmem>>, vector<16xf32>,
        %mul3A_121 = arith.mulf %get3A_117, %get3A_120 : vector<16xf32>
        %get3A_122 = arith.index_cast %add3A_114 : i32 to index
        %get3A_123 = arith.constant 16 : index
        %get3A_124 = tpu.vector_load %arg9[%get3A_122, %get3A_123] {strides = array<i32>} : memref<80x128xf32, #tpu.memory_space<vmem>>, vector<16xf32>,
        %get3A_125 = arith.index_cast %add3A_114 : i32 to index
        %get3A_126 = arith.constant 16 : index
        %get3A_127 = tpu.vector_load %arg10[%get3A_125, %get3A_126] {strides = array<i32>} : memref<80x128xf32, #tpu.memory_space<vmem>>, vector<16xf32>,
        %mul3A_128 = arith.mulf %get3A_124, %get3A_127 : vector<16xf32>
        %get3A_129 = arith.index_cast %add3A_114 : i32 to index
        %get3A_130 = arith.constant 32 : index
        %get3A_131 = tpu.vector_load %arg9[%get3A_129, %get3A_130] {strides = array<i32>} : memref<80x128xf32, #tpu.memory_space<vmem>>, vector<16xf32>,
        %get3A_132 = arith.index_cast %add3A_114 : i32 to index
        %get3A_133 = arith.constant 32 : index
        %get3A_134 = tpu.vector_load %arg10[%get3A_132, %get3A_133] {strides = array<i32>} : memref<80x128xf32, #tpu.memory_space<vmem>>, vector<16xf32>,
        %mul3A_135 = arith.mulf %get3A_131, %get3A_134 : vector<16xf32>
        %get3A_136 = arith.index_cast %add3A_114 : i32 to index
        %get3A_137 = arith.constant 48 : index
        %get3A_138 = tpu.vector_load %arg9[%get3A_136, %get3A_137] {strides = array<i32>} : memref<80x128xf32, #tpu.memory_space<vmem>>, vector<16xf32>,
        %get3A_139 = arith.index_cast %add3A_114 : i32 to index
        %get3A_140 = arith.constant 48 : index
        %get3A_141 = tpu.vector_load %arg10[%get3A_139, %get3A_140] {strides = array<i32>} : memref<80x128xf32, #tpu.memory_space<vmem>>, vector<16xf32>,
        %mul3A_142 = arith.mulf %get3A_138, %get3A_141 : vector<16xf32>
        %get3A_143 = arith.index_cast %add3A_114 : i32 to index
        %get3A_144 = arith.constant 64 : index
        %get3A_145 = tpu.vector_load %arg9[%get3A_143, %get3A_144] {strides = array<i32>} : memref<80x128xf32, #tpu.memory_space<vmem>>, vector<16xf32>,
        %get3A_146 = arith.index_cast %add3A_114 : i32 to index
        %get3A_147 = arith.constant 64 : index
        %get3A_148 = tpu.vector_load %arg10[%get3A_146, %get3A_147] {strides = array<i32>} : memref<80x128xf32, #tpu.memory_space<vmem>>, vector<16xf32>,
        %mul3A_149 = arith.mulf %get3A_145, %get3A_148 : vector<16xf32>
        %get3A_150 = arith.index_cast %add3A_114 : i32 to index
        %get3A_151 = arith.constant 80 : index
        %get3A_152 = tpu.vector_load %arg9[%get3A_150, %get3A_151] {strides = array<i32>} : memref<80x128xf32, #tpu.memory_space<vmem>>, vector<16xf32>,
        %get3A_153 = arith.index_cast %add3A_114 : i32 to index
        %get3A_154 = arith.constant 80 : index
        %get3A_155 = tpu.vector_load %arg10[%get3A_153, %get3A_154] {strides = array<i32>} : memref<80x128xf32, #tpu.memory_space<vmem>>, vector<16xf32>,
        %mul3A_156 = arith.mulf %get3A_152, %get3A_155 : vector<16xf32>
        %get3A_157 = arith.index_cast %add3A_114 : i32 to index
        %get3A_158 = arith.constant 96 : index
        %get3A_159 = tpu.vector_load %arg9[%get3A_157, %get3A_158] {strides = array<i32>} : memref<80x128xf32, #tpu.memory_space<vmem>>, vector<16xf32>,
        %get3A_160 = arith.index_cast %add3A_114 : i32 to index
        %get3A_161 = arith.constant 96 : index
        %get3A_162 = tpu.vector_load %arg10[%get3A_160, %get3A_161] {strides = array<i32>} : memref<80x128xf32, #tpu.memory_space<vmem>>, vector<16xf32>,
        %mul3A_163 = arith.mulf %get3A_159, %get3A_162 : vector<16xf32>
        %get3A_164 = arith.index_cast %add3A_114 : i32 to index
        %get3A_165 = arith.constant 112 : index
        %get3A_166 = tpu.vector_load %arg9[%get3A_164, %get3A_165] {strides = array<i32>} : memref<80x128xf32, #tpu.memory_space<vmem>>, vector<16xf32>,
        %get3A_167 = arith.index_cast %add3A_114 : i32 to index
        %get3A_168 = arith.constant 112 : index
        %get3A_169 = tpu.vector_load %arg10[%get3A_167, %get3A_168] {strides = array<i32>} : memref<80x128xf32, #tpu.memory_space<vmem>>, vector<16xf32>,
        %mul3A_170 = arith.mulf %get3A_166, %get3A_169 : vector<16xf32>
        %add3A_171 = arith.addf %mul3A_121, %mul3A_128 : vector<16xf32>
        %add3A_172 = arith.addf %mul3A_135, %mul3A_142 : vector<16xf32>
        %add3A_173 = arith.addf %mul3A_149, %mul3A_156 : vector<16xf32>
        %add3A_174 = arith.addf %mul3A_163, %mul3A_170 : vector<16xf32>
        %add3A_175 = arith.addf %add3A_171, %add3A_172 : vector<16xf32>
        %add3A_176 = arith.addf %add3A_173, %add3A_174 : vector<16xf32>
        %add3A_177 = arith.addf %add3A_175, %add3A_176 : vector<16xf32>
        %swap3A_178 = arith.constant 17 : index
        %swap3A_179 = tpu.vector_load %arg14[%swap3A_178] {strides = array<i32>} : memref<272xf32, #tpu.memory_space<vmem>>, vector<16xf32>,
        tpu.vector_store %arg14[%swap3A_178], %add3A_177 {strides = array<i32>} : memref<272xf32, #tpu.memory_space<vmem>>, vector<16xf32>,
        %add3A_180 = arith.constant 2 : i32
        %add3A_181 = arith.addi %mul3A_47, %add3A_180 : i32
        %get3A_182 = arith.index_cast %add3A_181 : i32 to index
        %get3A_183 = arith.constant 0 : index
        %get3A_184 = tpu.vector_load %arg9[%get3A_182, %get3A_183] {strides = array<i32>} : memref<80x128xf32, #tpu.memory_space<vmem>>, vector<16xf32>,
        %get3A_185 = arith.index_cast %add3A_181 : i32 to index
        %get3A_186 = arith.constant 0 : index
        %get3A_187 = tpu.vector_load %arg10[%get3A_185, %get3A_186] {strides = array<i32>} : memref<80x128xf32, #tpu.memory_space<vmem>>, vector<16xf32>,
        %mul3A_188 = arith.mulf %get3A_184, %get3A_187 : vector<16xf32>
        %get3A_189 = arith.index_cast %add3A_181 : i32 to index
        %get3A_190 = arith.constant 16 : index
        %get3A_191 = tpu.vector_load %arg9[%get3A_189, %get3A_190] {strides = array<i32>} : memref<80x128xf32, #tpu.memory_space<vmem>>, vector<16xf32>,
        %get3A_192 = arith.index_cast %add3A_181 : i32 to index
        %get3A_193 = arith.constant 16 : index
        %get3A_194 = tpu.vector_load %arg10[%get3A_192, %get3A_193] {strides = array<i32>} : memref<80x128xf32, #tpu.memory_space<vmem>>, vector<16xf32>,
        %mul3A_195 = arith.mulf %get3A_191, %get3A_194 : vector<16xf32>
        %get3A_196 = arith.index_cast %add3A_181 : i32 to index
        %get3A_197 = arith.constant 32 : index
        %get3A_198 = tpu.vector_load %arg9[%get3A_196, %get3A_197] {strides = array<i32>} : memref<80x128xf32, #tpu.memory_space<vmem>>, vector<16xf32>,
        %get3A_199 = arith.index_cast %add3A_181 : i32 to index
        %get3A_200 = arith.constant 32 : index
        %get3A_201 = tpu.vector_load %arg10[%get3A_199, %get3A_200] {strides = array<i32>} : memref<80x128xf32, #tpu.memory_space<vmem>>, vector<16xf32>,
        %mul3A_202 = arith.mulf %get3A_198, %get3A_201 : vector<16xf32>
        %get3A_203 = arith.index_cast %add3A_181 : i32 to index
        %get3A_204 = arith.constant 48 : index
        %get3A_205 = tpu.vector_load %arg9[%get3A_203, %get3A_204] {strides = array<i32>} : memref<80x128xf32, #tpu.memory_space<vmem>>, vector<16xf32>,
        %get3A_206 = arith.index_cast %add3A_181 : i32 to index
        %get3A_207 = arith.constant 48 : index
        %get3A_208 = tpu.vector_load %arg10[%get3A_206, %get3A_207] {strides = array<i32>} : memref<80x128xf32, #tpu.memory_space<vmem>>, vector<16xf32>,
        %mul3A_209 = arith.mulf %get3A_205, %get3A_208 : vector<16xf32>
        %get3A_210 = arith.index_cast %add3A_181 : i32 to index
        %get3A_211 = arith.constant 64 : index
        %get3A_212 = tpu.vector_load %arg9[%get3A_210, %get3A_211] {strides = array<i32>} : memref<80x128xf32, #tpu.memory_space<vmem>>, vector<16xf32>,
        %get3A_213 = arith.index_cast %add3A_181 : i32 to index
        %get3A_214 = arith.constant 64 : index
        %get3A_215 = tpu.vector_load %arg10[%get3A_213, %get3A_214] {strides = array<i32>} : memref<80x128xf32, #tpu.memory_space<vmem>>, vector<16xf32>,
        %mul3A_216 = arith.mulf %get3A_212, %get3A_215 : vector<16xf32>
        %get3A_217 = arith.index_cast %add3A_181 : i32 to index
        %get3A_218 = arith.constant 80 : index
        %get3A_219 = tpu.vector_load %arg9[%get3A_217, %get3A_218] {strides = array<i32>} : memref<80x128xf32, #tpu.memory_space<vmem>>, vector<16xf32>,
        %get3A_220 = arith.index_cast %add3A_181 : i32 to index
        %get3A_221 = arith.constant 80 : index
        %get3A_222 = tpu.vector_load %arg10[%get3A_220, %get3A_221] {strides = array<i32>} : memref<80x128xf32, #tpu.memory_space<vmem>>, vector<16xf32>,
        %mul3A_223 = arith.mulf %get3A_219, %get3A_222 : vector<16xf32>
        %get3A_224 = arith.index_cast %add3A_181 : i32 to index
        %get3A_225 = arith.constant 96 : index
        %get3A_226 = tpu.vector_load %arg9[%get3A_224, %get3A_225] {strides = array<i32>} : memref<80x128xf32, #tpu.memory_space<vmem>>, vector<16xf32>,
        %get3A_227 = arith.index_cast %add3A_181 : i32 to index
        %get3A_228 = arith.constant 96 : index
        %get3A_229 = tpu.vector_load %arg10[%get3A_227, %get3A_228] {strides = array<i32>} : memref<80x128xf32, #tpu.memory_space<vmem>>, vector<16xf32>,
        %mul3A_230 = arith.mulf %get3A_226, %get3A_229 : vector<16xf32>
        %get3A_231 = arith.index_cast %add3A_181 : i32 to index
        %get3A_232 = arith.constant 112 : index
        %get3A_233 = tpu.vector_load %arg9[%get3A_231, %get3A_232] {strides = array<i32>} : memref<80x128xf32, #tpu.memory_space<vmem>>, vector<16xf32>,
        %get3A_234 = arith.index_cast %add3A_181 : i32 to index
        %get3A_235 = arith.constant 112 : index
        %get3A_236 = tpu.vector_load %arg10[%get3A_234, %get3A_235] {strides = array<i32>} : memref<80x128xf32, #tpu.memory_space<vmem>>, vector<16xf32>,
        %mul3A_237 = arith.mulf %get3A_233, %get3A_236 : vector<16xf32>
        %add3A_238 = arith.addf %mul3A_188, %mul3A_195 : vector<16xf32>
        %add3A_239 = arith.addf %mul3A_202, %mul3A_209 : vector<16xf32>
        %add3A_240 = arith.addf %mul3A_216, %mul3A_223 : vector<16xf32>
        %add3A_241 = arith.addf %mul3A_230, %mul3A_237 : vector<16xf32>
        %add3A_242 = arith.addf %add3A_238, %add3A_239 : vector<16xf32>
        %add3A_243 = arith.addf %add3A_240, %add3A_241 : vector<16xf32>
        %add3A_244 = arith.addf %add3A_242, %add3A_243 : vector<16xf32>
        %swap3A_245 = arith.constant 34 : index
        %swap3A_246 = tpu.vector_load %arg14[%swap3A_245] {strides = array<i32>} : memref<272xf32, #tpu.memory_space<vmem>>, vector<16xf32>,
        tpu.vector_store %arg14[%swap3A_245], %add3A_244 {strides = array<i32>} : memref<272xf32, #tpu.memory_space<vmem>>, vector<16xf32>,
        %add3A_247 = arith.constant 3 : i32
        %add3A_248 = arith.addi %mul3A_47, %add3A_247 : i32
        %get3A_249 = arith.index_cast %add3A_248 : i32 to index
        %get3A_250 = arith.constant 0 : index
        %get3A_251 = tpu.vector_load %arg9[%get3A_249, %get3A_250] {strides = array<i32>} : memref<80x128xf32, #tpu.memory_space<vmem>>, vector<16xf32>,
        %get3A_252 = arith.index_cast %add3A_248 : i32 to index
        %get3A_253 = arith.constant 0 : index
        %get3A_254 = tpu.vector_load %arg10[%get3A_252, %get3A_253] {strides = array<i32>} : memref<80x128xf32, #tpu.memory_space<vmem>>, vector<16xf32>,
        %mul3A_255 = arith.mulf %get3A_251, %get3A_254 : vector<16xf32>
        %get3A_256 = arith.index_cast %add3A_248 : i32 to index
        %get3A_257 = arith.constant 16 : index
        %get3A_258 = tpu.vector_load %arg9[%get3A_256, %get3A_257] {strides = array<i32>} : memref<80x128xf32, #tpu.memory_space<vmem>>, vector<16xf32>,
        %get3A_259 = arith.index_cast %add3A_248 : i32 to index
        %get3A_260 = arith.constant 16 : index
        %get3A_261 = tpu.vector_load %arg10[%get3A_259, %get3A_260] {strides = array<i32>} : memref<80x128xf32, #tpu.memory_space<vmem>>, vector<16xf32>,
        %mul3A_262 = arith.mulf %get3A_258, %get3A_261 : vector<16xf32>
        %get3A_263 = arith.index_cast %add3A_248 : i32 to index
        %get3A_264 = arith.constant 32 : index
        %get3A_265 = tpu.vector_load %arg9[%get3A_263, %get3A_264] {strides = array<i32>} : memref<80x128xf32, #tpu.memory_space<vmem>>, vector<16xf32>,
        %get3A_266 = arith.index_cast %add3A_248 : i32 to index
        %get3A_267 = arith.constant 32 : index
        %get3A_268 = tpu.vector_load %arg10[%get3A_266, %get3A_267] {strides = array<i32>} : memref<80x128xf32, #tpu.memory_space<vmem>>, vector<16xf32>,
        %mul3A_269 = arith.mulf %get3A_265, %get3A_268 : vector<16xf32>
        %get3A_270 = arith.index_cast %add3A_248 : i32 to index
        %get3A_271 = arith.constant 48 : index
        %get3A_272 = tpu.vector_load %arg9[%get3A_270, %get3A_271] {strides = array<i32>} : memref<80x128xf32, #tpu.memory_space<vmem>>, vector<16xf32>,
        %get3A_273 = arith.index_cast %add3A_248 : i32 to index
        %get3A_274 = arith.constant 48 : index
        %get3A_275 = tpu.vector_load %arg10[%get3A_273, %get3A_274] {strides = array<i32>} : memref<80x128xf32, #tpu.memory_space<vmem>>, vector<16xf32>,
        %mul3A_276 = arith.mulf %get3A_272, %get3A_275 : vector<16xf32>
        %get3A_277 = arith.index_cast %add3A_248 : i32 to index
        %get3A_278 = arith.constant 64 : index
        %get3A_279 = tpu.vector_load %arg9[%get3A_277, %get3A_278] {strides = array<i32>} : memref<80x128xf32, #tpu.memory_space<vmem>>, vector<16xf32>,
        %get3A_280 = arith.index_cast %add3A_248 : i32 to index
        %get3A_281 = arith.constant 64 : index
        %get3A_282 = tpu.vector_load %arg10[%get3A_280, %get3A_281] {strides = array<i32>} : memref<80x128xf32, #tpu.memory_space<vmem>>, vector<16xf32>,
        %mul3A_283 = arith.mulf %get3A_279, %get3A_282 : vector<16xf32>
        %get3A_284 = arith.index_cast %add3A_248 : i32 to index
        %get3A_285 = arith.constant 80 : index
        %get3A_286 = tpu.vector_load %arg9[%get3A_284, %get3A_285] {strides = array<i32>} : memref<80x128xf32, #tpu.memory_space<vmem>>, vector<16xf32>,
        %get3A_287 = arith.index_cast %add3A_248 : i32 to index
        %get3A_288 = arith.constant 80 : index
        %get3A_289 = tpu.vector_load %arg10[%get3A_287, %get3A_288] {strides = array<i32>} : memref<80x128xf32, #tpu.memory_space<vmem>>, vector<16xf32>,
        %mul3A_290 = arith.mulf %get3A_286, %get3A_289 : vector<16xf32>
        %get3A_291 = arith.index_cast %add3A_248 : i32 to index
        %get3A_292 = arith.constant 96 : index
        %get3A_293 = tpu.vector_load %arg9[%get3A_291, %get3A_292] {strides = array<i32>} : memref<80x128xf32, #tpu.memory_space<vmem>>, vector<16xf32>,
        %get3A_294 = arith.index_cast %add3A_248 : i32 to index
        %get3A_295 = arith.constant 96 : index
        %get3A_296 = tpu.vector_load %arg10[%get3A_294, %get3A_295] {strides = array<i32>} : memref<80x128xf32, #tpu.memory_space<vmem>>, vector<16xf32>,
        %mul3A_297 = arith.mulf %get3A_293, %get3A_296 : vector<16xf32>
        %get3A_298 = arith.index_cast %add3A_248 : i32 to index
        %get3A_299 = arith.constant 112 : index
        %get3A_300 = tpu.vector_load %arg9[%get3A_298, %get3A_299] {strides = array<i32>} : memref<80x128xf32, #tpu.memory_space<vmem>>, vector<16xf32>,
        %get3A_301 = arith.index_cast %add3A_248 : i32 to index
        %get3A_302 = arith.constant 112 : index
        %get3A_303 = tpu.vector_load %arg10[%get3A_301, %get3A_302] {strides = array<i32>} : memref<80x128xf32, #tpu.memory_space<vmem>>, vector<16xf32>,
        %mul3A_304 = arith.mulf %get3A_300, %get3A_303 : vector<16xf32>
        %add3A_305 = arith.addf %mul3A_255, %mul3A_262 : vector<16xf32>
        %add3A_306 = arith.addf %mul3A_269, %mul3A_276 : vector<16xf32>
        %add3A_307 = arith.addf %mul3A_283, %mul3A_290 : vector<16xf32>
        %add3A_308 = arith.addf %mul3A_297, %mul3A_304 : vector<16xf32>
        %add3A_309 = arith.addf %add3A_305, %add3A_306 : vector<16xf32>
        %add3A_310 = arith.addf %add3A_307, %add3A_308 : vector<16xf32>
        %add3A_311 = arith.addf %add3A_309, %add3A_310 : vector<16xf32>
        %swap3A_312 = arith.constant 51 : index
        %swap3A_313 = tpu.vector_load %arg14[%swap3A_312] {strides = array<i32>} : memref<272xf32, #tpu.memory_space<vmem>>, vector<16xf32>,
        tpu.vector_store %arg14[%swap3A_312], %add3A_311 {strides = array<i32>} : memref<272xf32, #tpu.memory_space<vmem>>, vector<16xf32>,
        %add3A_314 = arith.constant 4 : i32
        %add3A_315 = arith.addi %mul3A_47, %add3A_314 : i32
        %get3A_316 = arith.index_cast %add3A_315 : i32 to index
        %get3A_317 = arith.constant 0 : index
        %get3A_318 = tpu.vector_load %arg9[%get3A_316, %get3A_317] {strides = array<i32>} : memref<80x128xf32, #tpu.memory_space<vmem>>, vector<16xf32>,
        %get3A_319 = arith.index_cast %add3A_315 : i32 to index
        %get3A_320 = arith.constant 0 : index
        %get3A_321 = tpu.vector_load %arg10[%get3A_319, %get3A_320] {strides = array<i32>} : memref<80x128xf32, #tpu.memory_space<vmem>>, vector<16xf32>,
        %mul3A_322 = arith.mulf %get3A_318, %get3A_321 : vector<16xf32>
        %get3A_323 = arith.index_cast %add3A_315 : i32 to index
        %get3A_324 = arith.constant 16 : index
        %get3A_325 = tpu.vector_load %arg9[%get3A_323, %get3A_324] {strides = array<i32>} : memref<80x128xf32, #tpu.memory_space<vmem>>, vector<16xf32>,
        %get3A_326 = arith.index_cast %add3A_315 : i32 to index
        %get3A_327 = arith.constant 16 : index
        %get3A_328 = tpu.vector_load %arg10[%get3A_326, %get3A_327] {strides = array<i32>} : memref<80x128xf32, #tpu.memory_space<vmem>>, vector<16xf32>,
        %mul3A_329 = arith.mulf %get3A_325, %get3A_328 : vector<16xf32>
        %get3A_330 = arith.index_cast %add3A_315 : i32 to index
        %get3A_331 = arith.constant 32 : index
        %get3A_332 = tpu.vector_load %arg9[%get3A_330, %get3A_331] {strides = array<i32>} : memref<80x128xf32, #tpu.memory_space<vmem>>, vector<16xf32>,
        %get3A_333 = arith.index_cast %add3A_315 : i32 to index
        %get3A_334 = arith.constant 32 : index
        %get3A_335 = tpu.vector_load %arg10[%get3A_333, %get3A_334] {strides = array<i32>} : memref<80x128xf32, #tpu.memory_space<vmem>>, vector<16xf32>,
        %mul3A_336 = arith.mulf %get3A_332, %get3A_335 : vector<16xf32>
        %get3A_337 = arith.index_cast %add3A_315 : i32 to index
        %get3A_338 = arith.constant 48 : index
        %get3A_339 = tpu.vector_load %arg9[%get3A_337, %get3A_338] {strides = array<i32>} : memref<80x128xf32, #tpu.memory_space<vmem>>, vector<16xf32>,
        %get3A_340 = arith.index_cast %add3A_315 : i32 to index
        %get3A_341 = arith.constant 48 : index
        %get3A_342 = tpu.vector_load %arg10[%get3A_340, %get3A_341] {strides = array<i32>} : memref<80x128xf32, #tpu.memory_space<vmem>>, vector<16xf32>,
        %mul3A_343 = arith.mulf %get3A_339, %get3A_342 : vector<16xf32>
        %get3A_344 = arith.index_cast %add3A_315 : i32 to index
        %get3A_345 = arith.constant 64 : index
        %get3A_346 = tpu.vector_load %arg9[%get3A_344, %get3A_345] {strides = array<i32>} : memref<80x128xf32, #tpu.memory_space<vmem>>, vector<16xf32>,
        %get3A_347 = arith.index_cast %add3A_315 : i32 to index
        %get3A_348 = arith.constant 64 : index
        %get3A_349 = tpu.vector_load %arg10[%get3A_347, %get3A_348] {strides = array<i32>} : memref<80x128xf32, #tpu.memory_space<vmem>>, vector<16xf32>,
        %mul3A_350 = arith.mulf %get3A_346, %get3A_349 : vector<16xf32>
        %get3A_351 = arith.index_cast %add3A_315 : i32 to index
        %get3A_352 = arith.constant 80 : index
        %get3A_353 = tpu.vector_load %arg9[%get3A_351, %get3A_352] {strides = array<i32>} : memref<80x128xf32, #tpu.memory_space<vmem>>, vector<16xf32>,
        %get3A_354 = arith.index_cast %add3A_315 : i32 to index
        %get3A_355 = arith.constant 80 : index
        %get3A_356 = tpu.vector_load %arg10[%get3A_354, %get3A_355] {strides = array<i32>} : memref<80x128xf32, #tpu.memory_space<vmem>>, vector<16xf32>,
        %mul3A_357 = arith.mulf %get3A_353, %get3A_356 : vector<16xf32>
        %get3A_358 = arith.index_cast %add3A_315 : i32 to index
        %get3A_359 = arith.constant 96 : index
        %get3A_360 = tpu.vector_load %arg9[%get3A_358, %get3A_359] {strides = array<i32>} : memref<80x128xf32, #tpu.memory_space<vmem>>, vector<16xf32>,
        %get3A_361 = arith.index_cast %add3A_315 : i32 to index
        %get3A_362 = arith.constant 96 : index
        %get3A_363 = tpu.vector_load %arg10[%get3A_361, %get3A_362] {strides = array<i32>} : memref<80x128xf32, #tpu.memory_space<vmem>>, vector<16xf32>,
        %mul3A_364 = arith.mulf %get3A_360, %get3A_363 : vector<16xf32>
        %get3A_365 = arith.index_cast %add3A_315 : i32 to index
        %get3A_366 = arith.constant 112 : index
        %get3A_367 = tpu.vector_load %arg9[%get3A_365, %get3A_366] {strides = array<i32>} : memref<80x128xf32, #tpu.memory_space<vmem>>, vector<16xf32>,
        %get3A_368 = arith.index_cast %add3A_315 : i32 to index
        %get3A_369 = arith.constant 112 : index
        %get3A_370 = tpu.vector_load %arg10[%get3A_368, %get3A_369] {strides = array<i32>} : memref<80x128xf32, #tpu.memory_space<vmem>>, vector<16xf32>,
        %mul3A_371 = arith.mulf %get3A_367, %get3A_370 : vector<16xf32>
        %add3A_372 = arith.addf %mul3A_322, %mul3A_329 : vector<16xf32>
        %add3A_373 = arith.addf %mul3A_336, %mul3A_343 : vector<16xf32>
        %add3A_374 = arith.addf %mul3A_350, %mul3A_357 : vector<16xf32>
        %add3A_375 = arith.addf %mul3A_364, %mul3A_371 : vector<16xf32>
        %add3A_376 = arith.addf %add3A_372, %add3A_373 : vector<16xf32>
        %add3A_377 = arith.addf %add3A_374, %add3A_375 : vector<16xf32>
        %add3A_378 = arith.addf %add3A_376, %add3A_377 : vector<16xf32>
        %swap3A_379 = arith.constant 68 : index
        %swap3A_380 = tpu.vector_load %arg14[%swap3A_379] {strides = array<i32>} : memref<272xf32, #tpu.memory_space<vmem>>, vector<16xf32>,
        tpu.vector_store %arg14[%swap3A_379], %add3A_378 {strides = array<i32>} : memref<272xf32, #tpu.memory_space<vmem>>, vector<16xf32>,
        %add3A_381 = arith.constant 5 : i32
        %add3A_382 = arith.addi %mul3A_47, %add3A_381 : i32
        %get3A_383 = arith.index_cast %add3A_382 : i32 to index
        %get3A_384 = arith.constant 0 : index
        %get3A_385 = tpu.vector_load %arg9[%get3A_383, %get3A_384] {strides = array<i32>} : memref<80x128xf32, #tpu.memory_space<vmem>>, vector<16xf32>,
        %get3A_386 = arith.index_cast %add3A_382 : i32 to index
        %get3A_387 = arith.constant 0 : index
        %get3A_388 = tpu.vector_load %arg10[%get3A_386, %get3A_387] {strides = array<i32>} : memref<80x128xf32, #tpu.memory_space<vmem>>, vector<16xf32>,
        %mul3A_389 = arith.mulf %get3A_385, %get3A_388 : vector<16xf32>
        %get3A_390 = arith.index_cast %add3A_382 : i32 to index
        %get3A_391 = arith.constant 16 : index
        %get3A_392 = tpu.vector_load %arg9[%get3A_390, %get3A_391] {strides = array<i32>} : memref<80x128xf32, #tpu.memory_space<vmem>>, vector<16xf32>,
        %get3A_393 = arith.index_cast %add3A_382 : i32 to index
        %get3A_394 = arith.constant 16 : index
        %get3A_395 = tpu.vector_load %arg10[%get3A_393, %get3A_394] {strides = array<i32>} : memref<80x128xf32, #tpu.memory_space<vmem>>, vector<16xf32>,
        %mul3A_396 = arith.mulf %get3A_392, %get3A_395 : vector<16xf32>
        %get3A_397 = arith.index_cast %add3A_382 : i32 to index
        %get3A_398 = arith.constant 32 : index
        %get3A_399 = tpu.vector_load %arg9[%get3A_397, %get3A_398] {strides = array<i32>} : memref<80x128xf32, #tpu.memory_space<vmem>>, vector<16xf32>,
        %get3A_400 = arith.index_cast %add3A_382 : i32 to index
        %get3A_401 = arith.constant 32 : index
        %get3A_402 = tpu.vector_load %arg10[%get3A_400, %get3A_401] {strides = array<i32>} : memref<80x128xf32, #tpu.memory_space<vmem>>, vector<16xf32>,
        %mul3A_403 = arith.mulf %get3A_399, %get3A_402 : vector<16xf32>
        %get3A_404 = arith.index_cast %add3A_382 : i32 to index
        %get3A_405 = arith.constant 48 : index
        %get3A_406 = tpu.vector_load %arg9[%get3A_404, %get3A_405] {strides = array<i32>} : memref<80x128xf32, #tpu.memory_space<vmem>>, vector<16xf32>,
        %get3A_407 = arith.index_cast %add3A_382 : i32 to index
        %get3A_408 = arith.constant 48 : index
        %get3A_409 = tpu.vector_load %arg10[%get3A_407, %get3A_408] {strides = array<i32>} : memref<80x128xf32, #tpu.memory_space<vmem>>, vector<16xf32>,
        %mul3A_410 = arith.mulf %get3A_406, %get3A_409 : vector<16xf32>
        %get3A_411 = arith.index_cast %add3A_382 : i32 to index
        %get3A_412 = arith.constant 64 : index
        %get3A_413 = tpu.vector_load %arg9[%get3A_411, %get3A_412] {strides = array<i32>} : memref<80x128xf32, #tpu.memory_space<vmem>>, vector<16xf32>,
        %get3A_414 = arith.index_cast %add3A_382 : i32 to index
        %get3A_415 = arith.constant 64 : index
        %get3A_416 = tpu.vector_load %arg10[%get3A_414, %get3A_415] {strides = array<i32>} : memref<80x128xf32, #tpu.memory_space<vmem>>, vector<16xf32>,
        %mul3A_417 = arith.mulf %get3A_413, %get3A_416 : vector<16xf32>
        %get3A_418 = arith.index_cast %add3A_382 : i32 to index
        %get3A_419 = arith.constant 80 : index
        %get3A_420 = tpu.vector_load %arg9[%get3A_418, %get3A_419] {strides = array<i32>} : memref<80x128xf32, #tpu.memory_space<vmem>>, vector<16xf32>,
        %get3A_421 = arith.index_cast %add3A_382 : i32 to index
        %get3A_422 = arith.constant 80 : index
        %get3A_423 = tpu.vector_load %arg10[%get3A_421, %get3A_422] {strides = array<i32>} : memref<80x128xf32, #tpu.memory_space<vmem>>, vector<16xf32>,
        %mul3A_424 = arith.mulf %get3A_420, %get3A_423 : vector<16xf32>
        %get3A_425 = arith.index_cast %add3A_382 : i32 to index
        %get3A_426 = arith.constant 96 : index
        %get3A_427 = tpu.vector_load %arg9[%get3A_425, %get3A_426] {strides = array<i32>} : memref<80x128xf32, #tpu.memory_space<vmem>>, vector<16xf32>,
        %get3A_428 = arith.index_cast %add3A_382 : i32 to index
        %get3A_429 = arith.constant 96 : index
        %get3A_430 = tpu.vector_load %arg10[%get3A_428, %get3A_429] {strides = array<i32>} : memref<80x128xf32, #tpu.memory_space<vmem>>, vector<16xf32>,
        %mul3A_431 = arith.mulf %get3A_427, %get3A_430 : vector<16xf32>
        %get3A_432 = arith.index_cast %add3A_382 : i32 to index
        %get3A_433 = arith.constant 112 : index
        %get3A_434 = tpu.vector_load %arg9[%get3A_432, %get3A_433] {strides = array<i32>} : memref<80x128xf32, #tpu.memory_space<vmem>>, vector<16xf32>,
        %get3A_435 = arith.index_cast %add3A_382 : i32 to index
        %get3A_436 = arith.constant 112 : index
        %get3A_437 = tpu.vector_load %arg10[%get3A_435, %get3A_436] {strides = array<i32>} : memref<80x128xf32, #tpu.memory_space<vmem>>, vector<16xf32>,
        %mul3A_438 = arith.mulf %get3A_434, %get3A_437 : vector<16xf32>
        %add3A_439 = arith.addf %mul3A_389, %mul3A_396 : vector<16xf32>
        %add3A_440 = arith.addf %mul3A_403, %mul3A_410 : vector<16xf32>
        %add3A_441 = arith.addf %mul3A_417, %mul3A_424 : vector<16xf32>
        %add3A_442 = arith.addf %mul3A_431, %mul3A_438 : vector<16xf32>
        %add3A_443 = arith.addf %add3A_439, %add3A_440 : vector<16xf32>
        %add3A_444 = arith.addf %add3A_441, %add3A_442 : vector<16xf32>
        %add3A_445 = arith.addf %add3A_443, %add3A_444 : vector<16xf32>
        %swap3A_446 = arith.constant 85 : index
        %swap3A_447 = tpu.vector_load %arg14[%swap3A_446] {strides = array<i32>} : memref<272xf32, #tpu.memory_space<vmem>>, vector<16xf32>,
        tpu.vector_store %arg14[%swap3A_446], %add3A_445 {strides = array<i32>} : memref<272xf32, #tpu.memory_space<vmem>>, vector<16xf32>,
        %add3A_448 = arith.constant 6 : i32
        %add3A_449 = arith.addi %mul3A_47, %add3A_448 : i32
        %get3A_450 = arith.index_cast %add3A_449 : i32 to index
        %get3A_451 = arith.constant 0 : index
        %get3A_452 = tpu.vector_load %arg9[%get3A_450, %get3A_451] {strides = array<i32>} : memref<80x128xf32, #tpu.memory_space<vmem>>, vector<16xf32>,
        %get3A_453 = arith.index_cast %add3A_449 : i32 to index
        %get3A_454 = arith.constant 0 : index
        %get3A_455 = tpu.vector_load %arg10[%get3A_453, %get3A_454] {strides = array<i32>} : memref<80x128xf32, #tpu.memory_space<vmem>>, vector<16xf32>,
        %mul3A_456 = arith.mulf %get3A_452, %get3A_455 : vector<16xf32>
        %get3A_457 = arith.index_cast %add3A_449 : i32 to index
        %get3A_458 = arith.constant 16 : index
        %get3A_459 = tpu.vector_load %arg9[%get3A_457, %get3A_458] {strides = array<i32>} : memref<80x128xf32, #tpu.memory_space<vmem>>, vector<16xf32>,
        %get3A_460 = arith.index_cast %add3A_449 : i32 to index
        %get3A_461 = arith.constant 16 : index
        %get3A_462 = tpu.vector_load %arg10[%get3A_460, %get3A_461] {strides = array<i32>} : memref<80x128xf32, #tpu.memory_space<vmem>>, vector<16xf32>,
        %mul3A_463 = arith.mulf %get3A_459, %get3A_462 : vector<16xf32>
        %get3A_464 = arith.index_cast %add3A_449 : i32 to index
        %get3A_465 = arith.constant 32 : index
        %get3A_466 = tpu.vector_load %arg9[%get3A_464, %get3A_465] {strides = array<i32>} : memref<80x128xf32, #tpu.memory_space<vmem>>, vector<16xf32>,
        %get3A_467 = arith.index_cast %add3A_449 : i32 to index
        %get3A_468 = arith.constant 32 : index
        %get3A_469 = tpu.vector_load %arg10[%get3A_467, %get3A_468] {strides = array<i32>} : memref<80x128xf32, #tpu.memory_space<vmem>>, vector<16xf32>,
        %mul3A_470 = arith.mulf %get3A_466, %get3A_469 : vector<16xf32>
        %get3A_471 = arith.index_cast %add3A_449 : i32 to index
        %get3A_472 = arith.constant 48 : index
        %get3A_473 = tpu.vector_load %arg9[%get3A_471, %get3A_472] {strides = array<i32>} : memref<80x128xf32, #tpu.memory_space<vmem>>, vector<16xf32>,
        %get3A_474 = arith.index_cast %add3A_449 : i32 to index
        %get3A_475 = arith.constant 48 : index
        %get3A_476 = tpu.vector_load %arg10[%get3A_474, %get3A_475] {strides = array<i32>} : memref<80x128xf32, #tpu.memory_space<vmem>>, vector<16xf32>,
        %mul3A_477 = arith.mulf %get3A_473, %get3A_476 : vector<16xf32>
        %get3A_478 = arith.index_cast %add3A_449 : i32 to index
        %get3A_479 = arith.constant 64 : index
        %get3A_480 = tpu.vector_load %arg9[%get3A_478, %get3A_479] {strides = array<i32>} : memref<80x128xf32, #tpu.memory_space<vmem>>, vector<16xf32>,
        %get3A_481 = arith.index_cast %add3A_449 : i32 to index
        %get3A_482 = arith.constant 64 : index
        %get3A_483 = tpu.vector_load %arg10[%get3A_481, %get3A_482] {strides = array<i32>} : memref<80x128xf32, #tpu.memory_space<vmem>>, vector<16xf32>,
        %mul3A_484 = arith.mulf %get3A_480, %get3A_483 : vector<16xf32>
        %get3A_485 = arith.index_cast %add3A_449 : i32 to index
        %get3A_486 = arith.constant 80 : index
        %get3A_487 = tpu.vector_load %arg9[%get3A_485, %get3A_486] {strides = array<i32>} : memref<80x128xf32, #tpu.memory_space<vmem>>, vector<16xf32>,
        %get3A_488 = arith.index_cast %add3A_449 : i32 to index
        %get3A_489 = arith.constant 80 : index
        %get3A_490 = tpu.vector_load %arg10[%get3A_488, %get3A_489] {strides = array<i32>} : memref<80x128xf32, #tpu.memory_space<vmem>>, vector<16xf32>,
        %mul3A_491 = arith.mulf %get3A_487, %get3A_490 : vector<16xf32>
        %get3A_492 = arith.index_cast %add3A_449 : i32 to index
        %get3A_493 = arith.constant 96 : index
        %get3A_494 = tpu.vector_load %arg9[%get3A_492, %get3A_493] {strides = array<i32>} : memref<80x128xf32, #tpu.memory_space<vmem>>, vector<16xf32>,
        %get3A_495 = arith.index_cast %add3A_449 : i32 to index
        %get3A_496 = arith.constant 96 : index
        %get3A_497 = tpu.vector_load %arg10[%get3A_495, %get3A_496] {strides = array<i32>} : memref<80x128xf32, #tpu.memory_space<vmem>>, vector<16xf32>,
        %mul3A_498 = arith.mulf %get3A_494, %get3A_497 : vector<16xf32>
        %get3A_499 = arith.index_cast %add3A_449 : i32 to index
        %get3A_500 = arith.constant 112 : index
        %get3A_501 = tpu.vector_load %arg9[%get3A_499, %get3A_500] {strides = array<i32>} : memref<80x128xf32, #tpu.memory_space<vmem>>, vector<16xf32>,
        %get3A_502 = arith.index_cast %add3A_449 : i32 to index
        %get3A_503 = arith.constant 112 : index
        %get3A_504 = tpu.vector_load %arg10[%get3A_502, %get3A_503] {strides = array<i32>} : memref<80x128xf32, #tpu.memory_space<vmem>>, vector<16xf32>,
        %mul3A_505 = arith.mulf %get3A_501, %get3A_504 : vector<16xf32>
        %add3A_506 = arith.addf %mul3A_456, %mul3A_463 : vector<16xf32>
        %add3A_507 = arith.addf %mul3A_470, %mul3A_477 : vector<16xf32>
        %add3A_508 = arith.addf %mul3A_484, %mul3A_491 : vector<16xf32>
        %add3A_509 = arith.addf %mul3A_498, %mul3A_505 : vector<16xf32>
        %add3A_510 = arith.addf %add3A_506, %add3A_507 : vector<16xf32>
        %add3A_511 = arith.addf %add3A_508, %add3A_509 : vector<16xf32>
        %add3A_512 = arith.addf %add3A_510, %add3A_511 : vector<16xf32>
        %swap3A_513 = arith.constant 102 : index
        %swap3A_514 = tpu.vector_load %arg14[%swap3A_513] {strides = array<i32>} : memref<272xf32, #tpu.memory_space<vmem>>, vector<16xf32>,
        tpu.vector_store %arg14[%swap3A_513], %add3A_512 {strides = array<i32>} : memref<272xf32, #tpu.memory_space<vmem>>, vector<16xf32>,
        %add3A_515 = arith.constant 7 : i32
        %add3A_516 = arith.addi %mul3A_47, %add3A_515 : i32
        %get3A_517 = arith.index_cast %add3A_516 : i32 to index
        %get3A_518 = arith.constant 0 : index
        %get3A_519 = tpu.vector_load %arg9[%get3A_517, %get3A_518] {strides = array<i32>} : memref<80x128xf32, #tpu.memory_space<vmem>>, vector<16xf32>,
        %get3A_520 = arith.index_cast %add3A_516 : i32 to index
        %get3A_521 = arith.constant 0 : index
        %get3A_522 = tpu.vector_load %arg10[%get3A_520, %get3A_521] {strides = array<i32>} : memref<80x128xf32, #tpu.memory_space<vmem>>, vector<16xf32>,
        %mul3A_523 = arith.mulf %get3A_519, %get3A_522 : vector<16xf32>
        %get3A_524 = arith.index_cast %add3A_516 : i32 to index
        %get3A_525 = arith.constant 16 : index
        %get3A_526 = tpu.vector_load %arg9[%get3A_524, %get3A_525] {strides = array<i32>} : memref<80x128xf32, #tpu.memory_space<vmem>>, vector<16xf32>,
        %get3A_527 = arith.index_cast %add3A_516 : i32 to index
        %get3A_528 = arith.constant 16 : index
        %get3A_529 = tpu.vector_load %arg10[%get3A_527, %get3A_528] {strides = array<i32>} : memref<80x128xf32, #tpu.memory_space<vmem>>, vector<16xf32>,
        %mul3A_530 = arith.mulf %get3A_526, %get3A_529 : vector<16xf32>
        %get3A_531 = arith.index_cast %add3A_516 : i32 to index
        %get3A_532 = arith.constant 32 : index
        %get3A_533 = tpu.vector_load %arg9[%get3A_531, %get3A_532] {strides = array<i32>} : memref<80x128xf32, #tpu.memory_space<vmem>>, vector<16xf32>,
        %get3A_534 = arith.index_cast %add3A_516 : i32 to index
        %get3A_535 = arith.constant 32 : index
        %get3A_536 = tpu.vector_load %arg10[%get3A_534, %get3A_535] {strides = array<i32>} : memref<80x128xf32, #tpu.memory_space<vmem>>, vector<16xf32>,
        %mul3A_537 = arith.mulf %get3A_533, %get3A_536 : vector<16xf32>
        %get3A_538 = arith.index_cast %add3A_516 : i32 to index
        %get3A_539 = arith.constant 48 : index
        %get3A_540 = tpu.vector_load %arg9[%get3A_538, %get3A_539] {strides = array<i32>} : memref<80x128xf32, #tpu.memory_space<vmem>>, vector<16xf32>,
        %get3A_541 = arith.index_cast %add3A_516 : i32 to index
        %get3A_542 = arith.constant 48 : index
        %get3A_543 = tpu.vector_load %arg10[%get3A_541, %get3A_542] {strides = array<i32>} : memref<80x128xf32, #tpu.memory_space<vmem>>, vector<16xf32>,
        %mul3A_544 = arith.mulf %get3A_540, %get3A_543 : vector<16xf32>
        %get3A_545 = arith.index_cast %add3A_516 : i32 to index
        %get3A_546 = arith.constant 64 : index
        %get3A_547 = tpu.vector_load %arg9[%get3A_545, %get3A_546] {strides = array<i32>} : memref<80x128xf32, #tpu.memory_space<vmem>>, vector<16xf32>,
        %get3A_548 = arith.index_cast %add3A_516 : i32 to index
        %get3A_549 = arith.constant 64 : index
        %get3A_550 = tpu.vector_load %arg10[%get3A_548, %get3A_549] {strides = array<i32>} : memref<80x128xf32, #tpu.memory_space<vmem>>, vector<16xf32>,
        %mul3A_551 = arith.mulf %get3A_547, %get3A_550 : vector<16xf32>
        %get3A_552 = arith.index_cast %add3A_516 : i32 to index
        %get3A_553 = arith.constant 80 : index
        %get3A_554 = tpu.vector_load %arg9[%get3A_552, %get3A_553] {strides = array<i32>} : memref<80x128xf32, #tpu.memory_space<vmem>>, vector<16xf32>,
        %get3A_555 = arith.index_cast %add3A_516 : i32 to index
        %get3A_556 = arith.constant 80 : index
        %get3A_557 = tpu.vector_load %arg10[%get3A_555, %get3A_556] {strides = array<i32>} : memref<80x128xf32, #tpu.memory_space<vmem>>, vector<16xf32>,
        %mul3A_558 = arith.mulf %get3A_554, %get3A_557 : vector<16xf32>
        %get3A_559 = arith.index_cast %add3A_516 : i32 to index
        %get3A_560 = arith.constant 96 : index
        %get3A_561 = tpu.vector_load %arg9[%get3A_559, %get3A_560] {strides = array<i32>} : memref<80x128xf32, #tpu.memory_space<vmem>>, vector<16xf32>,
        %get3A_562 = arith.index_cast %add3A_516 : i32 to index
        %get3A_563 = arith.constant 96 : index
        %get3A_564 = tpu.vector_load %arg10[%get3A_562, %get3A_563] {strides = array<i32>} : memref<80x128xf32, #tpu.memory_space<vmem>>, vector<16xf32>,
        %mul3A_565 = arith.mulf %get3A_561, %get3A_564 : vector<16xf32>
        %get3A_566 = arith.index_cast %add3A_516 : i32 to index
        %get3A_567 = arith.constant 112 : index
        %get3A_568 = tpu.vector_load %arg9[%get3A_566, %get3A_567] {strides = array<i32>} : memref<80x128xf32, #tpu.memory_space<vmem>>, vector<16xf32>,
        %get3A_569 = arith.index_cast %add3A_516 : i32 to index
        %get3A_570 = arith.constant 112 : index
        %get3A_571 = tpu.vector_load %arg10[%get3A_569, %get3A_570] {strides = array<i32>} : memref<80x128xf32, #tpu.memory_space<vmem>>, vector<16xf32>,
        %mul3A_572 = arith.mulf %get3A_568, %get3A_571 : vector<16xf32>
        %add3A_573 = arith.addf %mul3A_523, %mul3A_530 : vector<16xf32>
        %add3A_574 = arith.addf %mul3A_537, %mul3A_544 : vector<16xf32>
        %add3A_575 = arith.addf %mul3A_551, %mul3A_558 : vector<16xf32>
        %add3A_576 = arith.addf %mul3A_565, %mul3A_572 : vector<16xf32>
        %add3A_577 = arith.addf %add3A_573, %add3A_574 : vector<16xf32>
        %add3A_578 = arith.addf %add3A_575, %add3A_576 : vector<16xf32>
        %add3A_579 = arith.addf %add3A_577, %add3A_578 : vector<16xf32>
        %swap3A_580 = arith.constant 119 : index
        %swap3A_581 = tpu.vector_load %arg14[%swap3A_580] {strides = array<i32>} : memref<272xf32, #tpu.memory_space<vmem>>, vector<16xf32>,
        tpu.vector_store %arg14[%swap3A_580], %add3A_579 {strides = array<i32>} : memref<272xf32, #tpu.memory_space<vmem>>, vector<16xf32>,
        %add3A_582 = arith.constant 8 : i32
        %add3A_583 = arith.addi %mul3A_47, %add3A_582 : i32
        %get3A_584 = arith.index_cast %add3A_583 : i32 to index
        %get3A_585 = arith.constant 0 : index
        %get3A_586 = tpu.vector_load %arg9[%get3A_584, %get3A_585] {strides = array<i32>} : memref<80x128xf32, #tpu.memory_space<vmem>>, vector<16xf32>,
        %get3A_587 = arith.index_cast %add3A_583 : i32 to index
        %get3A_588 = arith.constant 0 : index
        %get3A_589 = tpu.vector_load %arg10[%get3A_587, %get3A_588] {strides = array<i32>} : memref<80x128xf32, #tpu.memory_space<vmem>>, vector<16xf32>,
        %mul3A_590 = arith.mulf %get3A_586, %get3A_589 : vector<16xf32>
        %get3A_591 = arith.index_cast %add3A_583 : i32 to index
        %get3A_592 = arith.constant 16 : index
        %get3A_593 = tpu.vector_load %arg9[%get3A_591, %get3A_592] {strides = array<i32>} : memref<80x128xf32, #tpu.memory_space<vmem>>, vector<16xf32>,
        %get3A_594 = arith.index_cast %add3A_583 : i32 to index
        %get3A_595 = arith.constant 16 : index
        %get3A_596 = tpu.vector_load %arg10[%get3A_594, %get3A_595] {strides = array<i32>} : memref<80x128xf32, #tpu.memory_space<vmem>>, vector<16xf32>,
        %mul3A_597 = arith.mulf %get3A_593, %get3A_596 : vector<16xf32>
        %get3A_598 = arith.index_cast %add3A_583 : i32 to index
        %get3A_599 = arith.constant 32 : index
        %get3A_600 = tpu.vector_load %arg9[%get3A_598, %get3A_599] {strides = array<i32>} : memref<80x128xf32, #tpu.memory_space<vmem>>, vector<16xf32>,
        %get3A_601 = arith.index_cast %add3A_583 : i32 to index
        %get3A_602 = arith.constant 32 : index
        %get3A_603 = tpu.vector_load %arg10[%get3A_601, %get3A_602] {strides = array<i32>} : memref<80x128xf32, #tpu.memory_space<vmem>>, vector<16xf32>,
        %mul3A_604 = arith.mulf %get3A_600, %get3A_603 : vector<16xf32>
        %get3A_605 = arith.index_cast %add3A_583 : i32 to index
        %get3A_606 = arith.constant 48 : index
        %get3A_607 = tpu.vector_load %arg9[%get3A_605, %get3A_606] {strides = array<i32>} : memref<80x128xf32, #tpu.memory_space<vmem>>, vector<16xf32>,
        %get3A_608 = arith.index_cast %add3A_583 : i32 to index
        %get3A_609 = arith.constant 48 : index
        %get3A_610 = tpu.vector_load %arg10[%get3A_608, %get3A_609] {strides = array<i32>} : memref<80x128xf32, #tpu.memory_space<vmem>>, vector<16xf32>,
        %mul3A_611 = arith.mulf %get3A_607, %get3A_610 : vector<16xf32>
        %get3A_612 = arith.index_cast %add3A_583 : i32 to index
        %get3A_613 = arith.constant 64 : index
        %get3A_614 = tpu.vector_load %arg9[%get3A_612, %get3A_613] {strides = array<i32>} : memref<80x128xf32, #tpu.memory_space<vmem>>, vector<16xf32>,
        %get3A_615 = arith.index_cast %add3A_583 : i32 to index
        %get3A_616 = arith.constant 64 : index
        %get3A_617 = tpu.vector_load %arg10[%get3A_615, %get3A_616] {strides = array<i32>} : memref<80x128xf32, #tpu.memory_space<vmem>>, vector<16xf32>,
        %mul3A_618 = arith.mulf %get3A_614, %get3A_617 : vector<16xf32>
        %get3A_619 = arith.index_cast %add3A_583 : i32 to index
        %get3A_620 = arith.constant 80 : index
        %get3A_621 = tpu.vector_load %arg9[%get3A_619, %get3A_620] {strides = array<i32>} : memref<80x128xf32, #tpu.memory_space<vmem>>, vector<16xf32>,
        %get3A_622 = arith.index_cast %add3A_583 : i32 to index
        %get3A_623 = arith.constant 80 : index
        %get3A_624 = tpu.vector_load %arg10[%get3A_622, %get3A_623] {strides = array<i32>} : memref<80x128xf32, #tpu.memory_space<vmem>>, vector<16xf32>,
        %mul3A_625 = arith.mulf %get3A_621, %get3A_624 : vector<16xf32>
        %get3A_626 = arith.index_cast %add3A_583 : i32 to index
        %get3A_627 = arith.constant 96 : index
        %get3A_628 = tpu.vector_load %arg9[%get3A_626, %get3A_627] {strides = array<i32>} : memref<80x128xf32, #tpu.memory_space<vmem>>, vector<16xf32>,
        %get3A_629 = arith.index_cast %add3A_583 : i32 to index
        %get3A_630 = arith.constant 96 : index
        %get3A_631 = tpu.vector_load %arg10[%get3A_629, %get3A_630] {strides = array<i32>} : memref<80x128xf32, #tpu.memory_space<vmem>>, vector<16xf32>,
        %mul3A_632 = arith.mulf %get3A_628, %get3A_631 : vector<16xf32>
        %get3A_633 = arith.index_cast %add3A_583 : i32 to index
        %get3A_634 = arith.constant 112 : index
        %get3A_635 = tpu.vector_load %arg9[%get3A_633, %get3A_634] {strides = array<i32>} : memref<80x128xf32, #tpu.memory_space<vmem>>, vector<16xf32>,
        %get3A_636 = arith.index_cast %add3A_583 : i32 to index
        %get3A_637 = arith.constant 112 : index
        %get3A_638 = tpu.vector_load %arg10[%get3A_636, %get3A_637] {strides = array<i32>} : memref<80x128xf32, #tpu.memory_space<vmem>>, vector<16xf32>,
        %mul3A_639 = arith.mulf %get3A_635, %get3A_638 : vector<16xf32>
        %add3A_640 = arith.addf %mul3A_590, %mul3A_597 : vector<16xf32>
        %add3A_641 = arith.addf %mul3A_604, %mul3A_611 : vector<16xf32>
        %add3A_642 = arith.addf %mul3A_618, %mul3A_625 : vector<16xf32>
        %add3A_643 = arith.addf %mul3A_632, %mul3A_639 : vector<16xf32>
        %add3A_644 = arith.addf %add3A_640, %add3A_641 : vector<16xf32>
        %add3A_645 = arith.addf %add3A_642, %add3A_643 : vector<16xf32>
        %add3A_646 = arith.addf %add3A_644, %add3A_645 : vector<16xf32>
        %swap3A_647 = arith.constant 136 : index
        %swap3A_648 = tpu.vector_load %arg14[%swap3A_647] {strides = array<i32>} : memref<272xf32, #tpu.memory_space<vmem>>, vector<16xf32>,
        tpu.vector_store %arg14[%swap3A_647], %add3A_646 {strides = array<i32>} : memref<272xf32, #tpu.memory_space<vmem>>, vector<16xf32>,
        %add3A_649 = arith.constant 9 : i32
        %add3A_650 = arith.addi %mul3A_47, %add3A_649 : i32
        %get3A_651 = arith.index_cast %add3A_650 : i32 to index
        %get3A_652 = arith.constant 0 : index
        %get3A_653 = tpu.vector_load %arg9[%get3A_651, %get3A_652] {strides = array<i32>} : memref<80x128xf32, #tpu.memory_space<vmem>>, vector<16xf32>,
        %get3A_654 = arith.index_cast %add3A_650 : i32 to index
        %get3A_655 = arith.constant 0 : index
        %get3A_656 = tpu.vector_load %arg10[%get3A_654, %get3A_655] {strides = array<i32>} : memref<80x128xf32, #tpu.memory_space<vmem>>, vector<16xf32>,
        %mul3A_657 = arith.mulf %get3A_653, %get3A_656 : vector<16xf32>
        %get3A_658 = arith.index_cast %add3A_650 : i32 to index
        %get3A_659 = arith.constant 16 : index
        %get3A_660 = tpu.vector_load %arg9[%get3A_658, %get3A_659] {strides = array<i32>} : memref<80x128xf32, #tpu.memory_space<vmem>>, vector<16xf32>,
        %get3A_661 = arith.index_cast %add3A_650 : i32 to index
        %get3A_662 = arith.constant 16 : index
        %get3A_663 = tpu.vector_load %arg10[%get3A_661, %get3A_662] {strides = array<i32>} : memref<80x128xf32, #tpu.memory_space<vmem>>, vector<16xf32>,
        %mul3A_664 = arith.mulf %get3A_660, %get3A_663 : vector<16xf32>
        %get3A_665 = arith.index_cast %add3A_650 : i32 to index
        %get3A_666 = arith.constant 32 : index
        %get3A_667 = tpu.vector_load %arg9[%get3A_665, %get3A_666] {strides = array<i32>} : memref<80x128xf32, #tpu.memory_space<vmem>>, vector<16xf32>,
        %get3A_668 = arith.index_cast %add3A_650 : i32 to index
        %get3A_669 = arith.constant 32 : index
        %get3A_670 = tpu.vector_load %arg10[%get3A_668, %get3A_669] {strides = array<i32>} : memref<80x128xf32, #tpu.memory_space<vmem>>, vector<16xf32>,
        %mul3A_671 = arith.mulf %get3A_667, %get3A_670 : vector<16xf32>
        %get3A_672 = arith.index_cast %add3A_650 : i32 to index
        %get3A_673 = arith.constant 48 : index
        %get3A_674 = tpu.vector_load %arg9[%get3A_672, %get3A_673] {strides = array<i32>} : memref<80x128xf32, #tpu.memory_space<vmem>>, vector<16xf32>,
        %get3A_675 = arith.index_cast %add3A_650 : i32 to index
        %get3A_676 = arith.constant 48 : index
        %get3A_677 = tpu.vector_load %arg10[%get3A_675, %get3A_676] {strides = array<i32>} : memref<80x128xf32, #tpu.memory_space<vmem>>, vector<16xf32>,
        %mul3A_678 = arith.mulf %get3A_674, %get3A_677 : vector<16xf32>
        %get3A_679 = arith.index_cast %add3A_650 : i32 to index
        %get3A_680 = arith.constant 64 : index
        %get3A_681 = tpu.vector_load %arg9[%get3A_679, %get3A_680] {strides = array<i32>} : memref<80x128xf32, #tpu.memory_space<vmem>>, vector<16xf32>,
        %get3A_682 = arith.index_cast %add3A_650 : i32 to index
        %get3A_683 = arith.constant 64 : index
        %get3A_684 = tpu.vector_load %arg10[%get3A_682, %get3A_683] {strides = array<i32>} : memref<80x128xf32, #tpu.memory_space<vmem>>, vector<16xf32>,
        %mul3A_685 = arith.mulf %get3A_681, %get3A_684 : vector<16xf32>
        %get3A_686 = arith.index_cast %add3A_650 : i32 to index
        %get3A_687 = arith.constant 80 : index
        %get3A_688 = tpu.vector_load %arg9[%get3A_686, %get3A_687] {strides = array<i32>} : memref<80x128xf32, #tpu.memory_space<vmem>>, vector<16xf32>,
        %get3A_689 = arith.index_cast %add3A_650 : i32 to index
        %get3A_690 = arith.constant 80 : index
        %get3A_691 = tpu.vector_load %arg10[%get3A_689, %get3A_690] {strides = array<i32>} : memref<80x128xf32, #tpu.memory_space<vmem>>, vector<16xf32>,
        %mul3A_692 = arith.mulf %get3A_688, %get3A_691 : vector<16xf32>
        %get3A_693 = arith.index_cast %add3A_650 : i32 to index
        %get3A_694 = arith.constant 96 : index
        %get3A_695 = tpu.vector_load %arg9[%get3A_693, %get3A_694] {strides = array<i32>} : memref<80x128xf32, #tpu.memory_space<vmem>>, vector<16xf32>,
        %get3A_696 = arith.index_cast %add3A_650 : i32 to index
        %get3A_697 = arith.constant 96 : index
        %get3A_698 = tpu.vector_load %arg10[%get3A_696, %get3A_697] {strides = array<i32>} : memref<80x128xf32, #tpu.memory_space<vmem>>, vector<16xf32>,
        %mul3A_699 = arith.mulf %get3A_695, %get3A_698 : vector<16xf32>
        %get3A_700 = arith.index_cast %add3A_650 : i32 to index
        %get3A_701 = arith.constant 112 : index
        %get3A_702 = tpu.vector_load %arg9[%get3A_700, %get3A_701] {strides = array<i32>} : memref<80x128xf32, #tpu.memory_space<vmem>>, vector<16xf32>,
        %get3A_703 = arith.index_cast %add3A_650 : i32 to index
        %get3A_704 = arith.constant 112 : index
        %get3A_705 = tpu.vector_load %arg10[%get3A_703, %get3A_704] {strides = array<i32>} : memref<80x128xf32, #tpu.memory_space<vmem>>, vector<16xf32>,
        %mul3A_706 = arith.mulf %get3A_702, %get3A_705 : vector<16xf32>
        %add3A_707 = arith.addf %mul3A_657, %mul3A_664 : vector<16xf32>
        %add3A_708 = arith.addf %mul3A_671, %mul3A_678 : vector<16xf32>
        %add3A_709 = arith.addf %mul3A_685, %mul3A_692 : vector<16xf32>
        %add3A_710 = arith.addf %mul3A_699, %mul3A_706 : vector<16xf32>
        %add3A_711 = arith.addf %add3A_707, %add3A_708 : vector<16xf32>
        %add3A_712 = arith.addf %add3A_709, %add3A_710 : vector<16xf32>
        %add3A_713 = arith.addf %add3A_711, %add3A_712 : vector<16xf32>
        %swap3A_714 = arith.constant 153 : index
        %swap3A_715 = tpu.vector_load %arg14[%swap3A_714] {strides = array<i32>} : memref<272xf32, #tpu.memory_space<vmem>>, vector<16xf32>,
        tpu.vector_store %arg14[%swap3A_714], %add3A_713 {strides = array<i32>} : memref<272xf32, #tpu.memory_space<vmem>>, vector<16xf32>,
        %add3A_716 = arith.constant 10 : i32
        %add3A_717 = arith.addi %mul3A_47, %add3A_716 : i32
        %get3A_718 = arith.index_cast %add3A_717 : i32 to index
        %get3A_719 = arith.constant 0 : index
        %get3A_720 = tpu.vector_load %arg9[%get3A_718, %get3A_719] {strides = array<i32>} : memref<80x128xf32, #tpu.memory_space<vmem>>, vector<16xf32>,
        %get3A_721 = arith.index_cast %add3A_717 : i32 to index
        %get3A_722 = arith.constant 0 : index
        %get3A_723 = tpu.vector_load %arg10[%get3A_721, %get3A_722] {strides = array<i32>} : memref<80x128xf32, #tpu.memory_space<vmem>>, vector<16xf32>,
        %mul3A_724 = arith.mulf %get3A_720, %get3A_723 : vector<16xf32>
        %get3A_725 = arith.index_cast %add3A_717 : i32 to index
        %get3A_726 = arith.constant 16 : index
        %get3A_727 = tpu.vector_load %arg9[%get3A_725, %get3A_726] {strides = array<i32>} : memref<80x128xf32, #tpu.memory_space<vmem>>, vector<16xf32>,
        %get3A_728 = arith.index_cast %add3A_717 : i32 to index
        %get3A_729 = arith.constant 16 : index
        %get3A_730 = tpu.vector_load %arg10[%get3A_728, %get3A_729] {strides = array<i32>} : memref<80x128xf32, #tpu.memory_space<vmem>>, vector<16xf32>,
        %mul3A_731 = arith.mulf %get3A_727, %get3A_730 : vector<16xf32>
        %get3A_732 = arith.index_cast %add3A_717 : i32 to index
        %get3A_733 = arith.constant 32 : index
        %get3A_734 = tpu.vector_load %arg9[%get3A_732, %get3A_733] {strides = array<i32>} : memref<80x128xf32, #tpu.memory_space<vmem>>, vector<16xf32>,
        %get3A_735 = arith.index_cast %add3A_717 : i32 to index
        %get3A_736 = arith.constant 32 : index
        %get3A_737 = tpu.vector_load %arg10[%get3A_735, %get3A_736] {strides = array<i32>} : memref<80x128xf32, #tpu.memory_space<vmem>>, vector<16xf32>,
        %mul3A_738 = arith.mulf %get3A_734, %get3A_737 : vector<16xf32>
        %get3A_739 = arith.index_cast %add3A_717 : i32 to index
        %get3A_740 = arith.constant 48 : index
        %get3A_741 = tpu.vector_load %arg9[%get3A_739, %get3A_740] {strides = array<i32>} : memref<80x128xf32, #tpu.memory_space<vmem>>, vector<16xf32>,
        %get3A_742 = arith.index_cast %add3A_717 : i32 to index
        %get3A_743 = arith.constant 48 : index
        %get3A_744 = tpu.vector_load %arg10[%get3A_742, %get3A_743] {strides = array<i32>} : memref<80x128xf32, #tpu.memory_space<vmem>>, vector<16xf32>,
        %mul3A_745 = arith.mulf %get3A_741, %get3A_744 : vector<16xf32>
        %get3A_746 = arith.index_cast %add3A_717 : i32 to index
        %get3A_747 = arith.constant 64 : index
        %get3A_748 = tpu.vector_load %arg9[%get3A_746, %get3A_747] {strides = array<i32>} : memref<80x128xf32, #tpu.memory_space<vmem>>, vector<16xf32>,
        %get3A_749 = arith.index_cast %add3A_717 : i32 to index
        %get3A_750 = arith.constant 64 : index
        %get3A_751 = tpu.vector_load %arg10[%get3A_749, %get3A_750] {strides = array<i32>} : memref<80x128xf32, #tpu.memory_space<vmem>>, vector<16xf32>,
        %mul3A_752 = arith.mulf %get3A_748, %get3A_751 : vector<16xf32>
        %get3A_753 = arith.index_cast %add3A_717 : i32 to index
        %get3A_754 = arith.constant 80 : index
        %get3A_755 = tpu.vector_load %arg9[%get3A_753, %get3A_754] {strides = array<i32>} : memref<80x128xf32, #tpu.memory_space<vmem>>, vector<16xf32>,
        %get3A_756 = arith.index_cast %add3A_717 : i32 to index
        %get3A_757 = arith.constant 80 : index
        %get3A_758 = tpu.vector_load %arg10[%get3A_756, %get3A_757] {strides = array<i32>} : memref<80x128xf32, #tpu.memory_space<vmem>>, vector<16xf32>,
        %mul3A_759 = arith.mulf %get3A_755, %get3A_758 : vector<16xf32>
        %get3A_760 = arith.index_cast %add3A_717 : i32 to index
        %get3A_761 = arith.constant 96 : index
        %get3A_762 = tpu.vector_load %arg9[%get3A_760, %get3A_761] {strides = array<i32>} : memref<80x128xf32, #tpu.memory_space<vmem>>, vector<16xf32>,
        %get3A_763 = arith.index_cast %add3A_717 : i32 to index
        %get3A_764 = arith.constant 96 : index
        %get3A_765 = tpu.vector_load %arg10[%get3A_763, %get3A_764] {strides = array<i32>} : memref<80x128xf32, #tpu.memory_space<vmem>>, vector<16xf32>,
        %mul3A_766 = arith.mulf %get3A_762, %get3A_765 : vector<16xf32>
        %get3A_767 = arith.index_cast %add3A_717 : i32 to index
        %get3A_768 = arith.constant 112 : index
        %get3A_769 = tpu.vector_load %arg9[%get3A_767, %get3A_768] {strides = array<i32>} : memref<80x128xf32, #tpu.memory_space<vmem>>, vector<16xf32>,
        %get3A_770 = arith.index_cast %add3A_717 : i32 to index
        %get3A_771 = arith.constant 112 : index
        %get3A_772 = tpu.vector_load %arg10[%get3A_770, %get3A_771] {strides = array<i32>} : memref<80x128xf32, #tpu.memory_space<vmem>>, vector<16xf32>,
        %mul3A_773 = arith.mulf %get3A_769, %get3A_772 : vector<16xf32>
        %add3A_774 = arith.addf %mul3A_724, %mul3A_731 : vector<16xf32>
        %add3A_775 = arith.addf %mul3A_738, %mul3A_745 : vector<16xf32>
        %add3A_776 = arith.addf %mul3A_752, %mul3A_759 : vector<16xf32>
        %add3A_777 = arith.addf %mul3A_766, %mul3A_773 : vector<16xf32>
        %add3A_778 = arith.addf %add3A_774, %add3A_775 : vector<16xf32>
        %add3A_779 = arith.addf %add3A_776, %add3A_777 : vector<16xf32>
        %add3A_780 = arith.addf %add3A_778, %add3A_779 : vector<16xf32>
        %swap3A_781 = arith.constant 170 : index
        %swap3A_782 = tpu.vector_load %arg14[%swap3A_781] {strides = array<i32>} : memref<272xf32, #tpu.memory_space<vmem>>, vector<16xf32>,
        tpu.vector_store %arg14[%swap3A_781], %add3A_780 {strides = array<i32>} : memref<272xf32, #tpu.memory_space<vmem>>, vector<16xf32>,
        %add3A_783 = arith.constant 11 : i32
        %add3A_784 = arith.addi %mul3A_47, %add3A_783 : i32
        %get3A_785 = arith.index_cast %add3A_784 : i32 to index
        %get3A_786 = arith.constant 0 : index
        %get3A_787 = tpu.vector_load %arg9[%get3A_785, %get3A_786] {strides = array<i32>} : memref<80x128xf32, #tpu.memory_space<vmem>>, vector<16xf32>,
        %get3A_788 = arith.index_cast %add3A_784 : i32 to index
        %get3A_789 = arith.constant 0 : index
        %get3A_790 = tpu.vector_load %arg10[%get3A_788, %get3A_789] {strides = array<i32>} : memref<80x128xf32, #tpu.memory_space<vmem>>, vector<16xf32>,
        %mul3A_791 = arith.mulf %get3A_787, %get3A_790 : vector<16xf32>
        %get3A_792 = arith.index_cast %add3A_784 : i32 to index
        %get3A_793 = arith.constant 16 : index
        %get3A_794 = tpu.vector_load %arg9[%get3A_792, %get3A_793] {strides = array<i32>} : memref<80x128xf32, #tpu.memory_space<vmem>>, vector<16xf32>,
        %get3A_795 = arith.index_cast %add3A_784 : i32 to index
        %get3A_796 = arith.constant 16 : index
        %get3A_797 = tpu.vector_load %arg10[%get3A_795, %get3A_796] {strides = array<i32>} : memref<80x128xf32, #tpu.memory_space<vmem>>, vector<16xf32>,
        %mul3A_798 = arith.mulf %get3A_794, %get3A_797 : vector<16xf32>
        %get3A_799 = arith.index_cast %add3A_784 : i32 to index
        %get3A_800 = arith.constant 32 : index
        %get3A_801 = tpu.vector_load %arg9[%get3A_799, %get3A_800] {strides = array<i32>} : memref<80x128xf32, #tpu.memory_space<vmem>>, vector<16xf32>,
        %get3A_802 = arith.index_cast %add3A_784 : i32 to index
        %get3A_803 = arith.constant 32 : index
        %get3A_804 = tpu.vector_load %arg10[%get3A_802, %get3A_803] {strides = array<i32>} : memref<80x128xf32, #tpu.memory_space<vmem>>, vector<16xf32>,
        %mul3A_805 = arith.mulf %get3A_801, %get3A_804 : vector<16xf32>
        %get3A_806 = arith.index_cast %add3A_784 : i32 to index
        %get3A_807 = arith.constant 48 : index
        %get3A_808 = tpu.vector_load %arg9[%get3A_806, %get3A_807] {strides = array<i32>} : memref<80x128xf32, #tpu.memory_space<vmem>>, vector<16xf32>,
        %get3A_809 = arith.index_cast %add3A_784 : i32 to index
        %get3A_810 = arith.constant 48 : index
        %get3A_811 = tpu.vector_load %arg10[%get3A_809, %get3A_810] {strides = array<i32>} : memref<80x128xf32, #tpu.memory_space<vmem>>, vector<16xf32>,
        %mul3A_812 = arith.mulf %get3A_808, %get3A_811 : vector<16xf32>
        %get3A_813 = arith.index_cast %add3A_784 : i32 to index
        %get3A_814 = arith.constant 64 : index
        %get3A_815 = tpu.vector_load %arg9[%get3A_813, %get3A_814] {strides = array<i32>} : memref<80x128xf32, #tpu.memory_space<vmem>>, vector<16xf32>,
        %get3A_816 = arith.index_cast %add3A_784 : i32 to index
        %get3A_817 = arith.constant 64 : index
        %get3A_818 = tpu.vector_load %arg10[%get3A_816, %get3A_817] {strides = array<i32>} : memref<80x128xf32, #tpu.memory_space<vmem>>, vector<16xf32>,
        %mul3A_819 = arith.mulf %get3A_815, %get3A_818 : vector<16xf32>
        %get3A_820 = arith.index_cast %add3A_784 : i32 to index
        %get3A_821 = arith.constant 80 : index
        %get3A_822 = tpu.vector_load %arg9[%get3A_820, %get3A_821] {strides = array<i32>} : memref<80x128xf32, #tpu.memory_space<vmem>>, vector<16xf32>,
        %get3A_823 = arith.index_cast %add3A_784 : i32 to index
        %get3A_824 = arith.constant 80 : index
        %get3A_825 = tpu.vector_load %arg10[%get3A_823, %get3A_824] {strides = array<i32>} : memref<80x128xf32, #tpu.memory_space<vmem>>, vector<16xf32>,
        %mul3A_826 = arith.mulf %get3A_822, %get3A_825 : vector<16xf32>
        %get3A_827 = arith.index_cast %add3A_784 : i32 to index
        %get3A_828 = arith.constant 96 : index
        %get3A_829 = tpu.vector_load %arg9[%get3A_827, %get3A_828] {strides = array<i32>} : memref<80x128xf32, #tpu.memory_space<vmem>>, vector<16xf32>,
        %get3A_830 = arith.index_cast %add3A_784 : i32 to index
        %get3A_831 = arith.constant 96 : index
        %get3A_832 = tpu.vector_load %arg10[%get3A_830, %get3A_831] {strides = array<i32>} : memref<80x128xf32, #tpu.memory_space<vmem>>, vector<16xf32>,
        %mul3A_833 = arith.mulf %get3A_829, %get3A_832 : vector<16xf32>
        %get3A_834 = arith.index_cast %add3A_784 : i32 to index
        %get3A_835 = arith.constant 112 : index
        %get3A_836 = tpu.vector_load %arg9[%get3A_834, %get3A_835] {strides = array<i32>} : memref<80x128xf32, #tpu.memory_space<vmem>>, vector<16xf32>,
        %get3A_837 = arith.index_cast %add3A_784 : i32 to index
        %get3A_838 = arith.constant 112 : index
        %get3A_839 = tpu.vector_load %arg10[%get3A_837, %get3A_838] {strides = array<i32>} : memref<80x128xf32, #tpu.memory_space<vmem>>, vector<16xf32>,
        %mul3A_840 = arith.mulf %get3A_836, %get3A_839 : vector<16xf32>
        %add3A_841 = arith.addf %mul3A_791, %mul3A_798 : vector<16xf32>
        %add3A_842 = arith.addf %mul3A_805, %mul3A_812 : vector<16xf32>
        %add3A_843 = arith.addf %mul3A_819, %mul3A_826 : vector<16xf32>
        %add3A_844 = arith.addf %mul3A_833, %mul3A_840 : vector<16xf32>
        %add3A_845 = arith.addf %add3A_841, %add3A_842 : vector<16xf32>
        %add3A_846 = arith.addf %add3A_843, %add3A_844 : vector<16xf32>
        %add3A_847 = arith.addf %add3A_845, %add3A_846 : vector<16xf32>
        %swap3A_848 = arith.constant 187 : index
        %swap3A_849 = tpu.vector_load %arg14[%swap3A_848] {strides = array<i32>} : memref<272xf32, #tpu.memory_space<vmem>>, vector<16xf32>,
        tpu.vector_store %arg14[%swap3A_848], %add3A_847 {strides = array<i32>} : memref<272xf32, #tpu.memory_space<vmem>>, vector<16xf32>,
        %add3A_850 = arith.constant 12 : i32
        %add3A_851 = arith.addi %mul3A_47, %add3A_850 : i32
        %get3A_852 = arith.index_cast %add3A_851 : i32 to index
        %get3A_853 = arith.constant 0 : index
        %get3A_854 = tpu.vector_load %arg9[%get3A_852, %get3A_853] {strides = array<i32>} : memref<80x128xf32, #tpu.memory_space<vmem>>, vector<16xf32>,
        %get3A_855 = arith.index_cast %add3A_851 : i32 to index
        %get3A_856 = arith.constant 0 : index
        %get3A_857 = tpu.vector_load %arg10[%get3A_855, %get3A_856] {strides = array<i32>} : memref<80x128xf32, #tpu.memory_space<vmem>>, vector<16xf32>,
        %mul3A_858 = arith.mulf %get3A_854, %get3A_857 : vector<16xf32>
        %get3A_859 = arith.index_cast %add3A_851 : i32 to index
        %get3A_860 = arith.constant 16 : index
        %get3A_861 = tpu.vector_load %arg9[%get3A_859, %get3A_860] {strides = array<i32>} : memref<80x128xf32, #tpu.memory_space<vmem>>, vector<16xf32>,
        %get3A_862 = arith.index_cast %add3A_851 : i32 to index
        %get3A_863 = arith.constant 16 : index
        %get3A_864 = tpu.vector_load %arg10[%get3A_862, %get3A_863] {strides = array<i32>} : memref<80x128xf32, #tpu.memory_space<vmem>>, vector<16xf32>,
        %mul3A_865 = arith.mulf %get3A_861, %get3A_864 : vector<16xf32>
        %get3A_866 = arith.index_cast %add3A_851 : i32 to index
        %get3A_867 = arith.constant 32 : index
        %get3A_868 = tpu.vector_load %arg9[%get3A_866, %get3A_867] {strides = array<i32>} : memref<80x128xf32, #tpu.memory_space<vmem>>, vector<16xf32>,
        %get3A_869 = arith.index_cast %add3A_851 : i32 to index
        %get3A_870 = arith.constant 32 : index
        %get3A_871 = tpu.vector_load %arg10[%get3A_869, %get3A_870] {strides = array<i32>} : memref<80x128xf32, #tpu.memory_space<vmem>>, vector<16xf32>,
        %mul3A_872 = arith.mulf %get3A_868, %get3A_871 : vector<16xf32>
        %get3A_873 = arith.index_cast %add3A_851 : i32 to index
        %get3A_874 = arith.constant 48 : index
        %get3A_875 = tpu.vector_load %arg9[%get3A_873, %get3A_874] {strides = array<i32>} : memref<80x128xf32, #tpu.memory_space<vmem>>, vector<16xf32>,
        %get3A_876 = arith.index_cast %add3A_851 : i32 to index
        %get3A_877 = arith.constant 48 : index
        %get3A_878 = tpu.vector_load %arg10[%get3A_876, %get3A_877] {strides = array<i32>} : memref<80x128xf32, #tpu.memory_space<vmem>>, vector<16xf32>,
        %mul3A_879 = arith.mulf %get3A_875, %get3A_878 : vector<16xf32>
        %get3A_880 = arith.index_cast %add3A_851 : i32 to index
        %get3A_881 = arith.constant 64 : index
        %get3A_882 = tpu.vector_load %arg9[%get3A_880, %get3A_881] {strides = array<i32>} : memref<80x128xf32, #tpu.memory_space<vmem>>, vector<16xf32>,
        %get3A_883 = arith.index_cast %add3A_851 : i32 to index
        %get3A_884 = arith.constant 64 : index
        %get3A_885 = tpu.vector_load %arg10[%get3A_883, %get3A_884] {strides = array<i32>} : memref<80x128xf32, #tpu.memory_space<vmem>>, vector<16xf32>,
        %mul3A_886 = arith.mulf %get3A_882, %get3A_885 : vector<16xf32>
        %get3A_887 = arith.index_cast %add3A_851 : i32 to index
        %get3A_888 = arith.constant 80 : index
        %get3A_889 = tpu.vector_load %arg9[%get3A_887, %get3A_888] {strides = array<i32>} : memref<80x128xf32, #tpu.memory_space<vmem>>, vector<16xf32>,
        %get3A_890 = arith.index_cast %add3A_851 : i32 to index
        %get3A_891 = arith.constant 80 : index
        %get3A_892 = tpu.vector_load %arg10[%get3A_890, %get3A_891] {strides = array<i32>} : memref<80x128xf32, #tpu.memory_space<vmem>>, vector<16xf32>,
        %mul3A_893 = arith.mulf %get3A_889, %get3A_892 : vector<16xf32>
        %get3A_894 = arith.index_cast %add3A_851 : i32 to index
        %get3A_895 = arith.constant 96 : index
        %get3A_896 = tpu.vector_load %arg9[%get3A_894, %get3A_895] {strides = array<i32>} : memref<80x128xf32, #tpu.memory_space<vmem>>, vector<16xf32>,
        %get3A_897 = arith.index_cast %add3A_851 : i32 to index
        %get3A_898 = arith.constant 96 : index
        %get3A_899 = tpu.vector_load %arg10[%get3A_897, %get3A_898] {strides = array<i32>} : memref<80x128xf32, #tpu.memory_space<vmem>>, vector<16xf32>,
        %mul3A_900 = arith.mulf %get3A_896, %get3A_899 : vector<16xf32>
        %get3A_901 = arith.index_cast %add3A_851 : i32 to index
        %get3A_902 = arith.constant 112 : index
        %get3A_903 = tpu.vector_load %arg9[%get3A_901, %get3A_902] {strides = array<i32>} : memref<80x128xf32, #tpu.memory_space<vmem>>, vector<16xf32>,
        %get3A_904 = arith.index_cast %add3A_851 : i32 to index
        %get3A_905 = arith.constant 112 : index
        %get3A_906 = tpu.vector_load %arg10[%get3A_904, %get3A_905] {strides = array<i32>} : memref<80x128xf32, #tpu.memory_space<vmem>>, vector<16xf32>,
        %mul3A_907 = arith.mulf %get3A_903, %get3A_906 : vector<16xf32>
        %add3A_908 = arith.addf %mul3A_858, %mul3A_865 : vector<16xf32>
        %add3A_909 = arith.addf %mul3A_872, %mul3A_879 : vector<16xf32>
        %add3A_910 = arith.addf %mul3A_886, %mul3A_893 : vector<16xf32>
        %add3A_911 = arith.addf %mul3A_900, %mul3A_907 : vector<16xf32>
        %add3A_912 = arith.addf %add3A_908, %add3A_909 : vector<16xf32>
        %add3A_913 = arith.addf %add3A_910, %add3A_911 : vector<16xf32>
        %add3A_914 = arith.addf %add3A_912, %add3A_913 : vector<16xf32>
        %swap3A_915 = arith.constant 204 : index
        %swap3A_916 = tpu.vector_load %arg14[%swap3A_915] {strides = array<i32>} : memref<272xf32, #tpu.memory_space<vmem>>, vector<16xf32>,
        tpu.vector_store %arg14[%swap3A_915], %add3A_914 {strides = array<i32>} : memref<272xf32, #tpu.memory_space<vmem>>, vector<16xf32>,
        %add3A_917 = arith.constant 13 : i32
        %add3A_918 = arith.addi %mul3A_47, %add3A_917 : i32
        %get3A_919 = arith.index_cast %add3A_918 : i32 to index
        %get3A_920 = arith.constant 0 : index
        %get3A_921 = tpu.vector_load %arg9[%get3A_919, %get3A_920] {strides = array<i32>} : memref<80x128xf32, #tpu.memory_space<vmem>>, vector<16xf32>,
        %get3A_922 = arith.index_cast %add3A_918 : i32 to index
        %get3A_923 = arith.constant 0 : index
        %get3A_924 = tpu.vector_load %arg10[%get3A_922, %get3A_923] {strides = array<i32>} : memref<80x128xf32, #tpu.memory_space<vmem>>, vector<16xf32>,
        %mul3A_925 = arith.mulf %get3A_921, %get3A_924 : vector<16xf32>
        %get3A_926 = arith.index_cast %add3A_918 : i32 to index
        %get3A_927 = arith.constant 16 : index
        %get3A_928 = tpu.vector_load %arg9[%get3A_926, %get3A_927] {strides = array<i32>} : memref<80x128xf32, #tpu.memory_space<vmem>>, vector<16xf32>,
        %get3A_929 = arith.index_cast %add3A_918 : i32 to index
        %get3A_930 = arith.constant 16 : index
        %get3A_931 = tpu.vector_load %arg10[%get3A_929, %get3A_930] {strides = array<i32>} : memref<80x128xf32, #tpu.memory_space<vmem>>, vector<16xf32>,
        %mul3A_932 = arith.mulf %get3A_928, %get3A_931 : vector<16xf32>
        %get3A_933 = arith.index_cast %add3A_918 : i32 to index
        %get3A_934 = arith.constant 32 : index
        %get3A_935 = tpu.vector_load %arg9[%get3A_933, %get3A_934] {strides = array<i32>} : memref<80x128xf32, #tpu.memory_space<vmem>>, vector<16xf32>,
        %get3A_936 = arith.index_cast %add3A_918 : i32 to index
        %get3A_937 = arith.constant 32 : index
        %get3A_938 = tpu.vector_load %arg10[%get3A_936, %get3A_937] {strides = array<i32>} : memref<80x128xf32, #tpu.memory_space<vmem>>, vector<16xf32>,
        %mul3A_939 = arith.mulf %get3A_935, %get3A_938 : vector<16xf32>
        %get3A_940 = arith.index_cast %add3A_918 : i32 to index
        %get3A_941 = arith.constant 48 : index
        %get3A_942 = tpu.vector_load %arg9[%get3A_940, %get3A_941] {strides = array<i32>} : memref<80x128xf32, #tpu.memory_space<vmem>>, vector<16xf32>,
        %get3A_943 = arith.index_cast %add3A_918 : i32 to index
        %get3A_944 = arith.constant 48 : index
        %get3A_945 = tpu.vector_load %arg10[%get3A_943, %get3A_944] {strides = array<i32>} : memref<80x128xf32, #tpu.memory_space<vmem>>, vector<16xf32>,
        %mul3A_946 = arith.mulf %get3A_942, %get3A_945 : vector<16xf32>
        %get3A_947 = arith.index_cast %add3A_918 : i32 to index
        %get3A_948 = arith.constant 64 : index
        %get3A_949 = tpu.vector_load %arg9[%get3A_947, %get3A_948] {strides = array<i32>} : memref<80x128xf32, #tpu.memory_space<vmem>>, vector<16xf32>,
        %get3A_950 = arith.index_cast %add3A_918 : i32 to index
        %get3A_951 = arith.constant 64 : index
        %get3A_952 = tpu.vector_load %arg10[%get3A_950, %get3A_951] {strides = array<i32>} : memref<80x128xf32, #tpu.memory_space<vmem>>, vector<16xf32>,
        %mul3A_953 = arith.mulf %get3A_949, %get3A_952 : vector<16xf32>
        %get3A_954 = arith.index_cast %add3A_918 : i32 to index
        %get3A_955 = arith.constant 80 : index
        %get3A_956 = tpu.vector_load %arg9[%get3A_954, %get3A_955] {strides = array<i32>} : memref<80x128xf32, #tpu.memory_space<vmem>>, vector<16xf32>,
        %get3A_957 = arith.index_cast %add3A_918 : i32 to index
        %get3A_958 = arith.constant 80 : index
        %get3A_959 = tpu.vector_load %arg10[%get3A_957, %get3A_958] {strides = array<i32>} : memref<80x128xf32, #tpu.memory_space<vmem>>, vector<16xf32>,
        %mul3A_960 = arith.mulf %get3A_956, %get3A_959 : vector<16xf32>
        %get3A_961 = arith.index_cast %add3A_918 : i32 to index
        %get3A_962 = arith.constant 96 : index
        %get3A_963 = tpu.vector_load %arg9[%get3A_961, %get3A_962] {strides = array<i32>} : memref<80x128xf32, #tpu.memory_space<vmem>>, vector<16xf32>,
        %get3A_964 = arith.index_cast %add3A_918 : i32 to index
        %get3A_965 = arith.constant 96 : index
        %get3A_966 = tpu.vector_load %arg10[%get3A_964, %get3A_965] {strides = array<i32>} : memref<80x128xf32, #tpu.memory_space<vmem>>, vector<16xf32>,
        %mul3A_967 = arith.mulf %get3A_963, %get3A_966 : vector<16xf32>
        %get3A_968 = arith.index_cast %add3A_918 : i32 to index
        %get3A_969 = arith.constant 112 : index
        %get3A_970 = tpu.vector_load %arg9[%get3A_968, %get3A_969] {strides = array<i32>} : memref<80x128xf32, #tpu.memory_space<vmem>>, vector<16xf32>,
        %get3A_971 = arith.index_cast %add3A_918 : i32 to index
        %get3A_972 = arith.constant 112 : index
        %get3A_973 = tpu.vector_load %arg10[%get3A_971, %get3A_972] {strides = array<i32>} : memref<80x128xf32, #tpu.memory_space<vmem>>, vector<16xf32>,
        %mul3A_974 = arith.mulf %get3A_970, %get3A_973 : vector<16xf32>
        %add3A_975 = arith.addf %mul3A_925, %mul3A_932 : vector<16xf32>
        %add3A_976 = arith.addf %mul3A_939, %mul3A_946 : vector<16xf32>
        %add3A_977 = arith.addf %mul3A_953, %mul3A_960 : vector<16xf32>
        %add3A_978 = arith.addf %mul3A_967, %mul3A_974 : vector<16xf32>
        %add3A_979 = arith.addf %add3A_975, %add3A_976 : vector<16xf32>
        %add3A_980 = arith.addf %add3A_977, %add3A_978 : vector<16xf32>
        %add3A_981 = arith.addf %add3A_979, %add3A_980 : vector<16xf32>
        %swap3A_982 = arith.constant 221 : index
        %swap3A_983 = tpu.vector_load %arg14[%swap3A_982] {strides = array<i32>} : memref<272xf32, #tpu.memory_space<vmem>>, vector<16xf32>,
        tpu.vector_store %arg14[%swap3A_982], %add3A_981 {strides = array<i32>} : memref<272xf32, #tpu.memory_space<vmem>>, vector<16xf32>,
        %add3A_984 = arith.constant 14 : i32
        %add3A_985 = arith.addi %mul3A_47, %add3A_984 : i32
        %get3A_986 = arith.index_cast %add3A_985 : i32 to index
        %get3A_987 = arith.constant 0 : index
        %get3A_988 = tpu.vector_load %arg9[%get3A_986, %get3A_987] {strides = array<i32>} : memref<80x128xf32, #tpu.memory_space<vmem>>, vector<16xf32>,
        %get3A_989 = arith.index_cast %add3A_985 : i32 to index
        %get3A_990 = arith.constant 0 : index
        %get3A_991 = tpu.vector_load %arg10[%get3A_989, %get3A_990] {strides = array<i32>} : memref<80x128xf32, #tpu.memory_space<vmem>>, vector<16xf32>,
        %mul3A_992 = arith.mulf %get3A_988, %get3A_991 : vector<16xf32>
        %get3A_993 = arith.index_cast %add3A_985 : i32 to index
        %get3A_994 = arith.constant 16 : index
        %get3A_995 = tpu.vector_load %arg9[%get3A_993, %get3A_994] {strides = array<i32>} : memref<80x128xf32, #tpu.memory_space<vmem>>, vector<16xf32>,
        %get3A_996 = arith.index_cast %add3A_985 : i32 to index
        %get3A_997 = arith.constant 16 : index
        %get3A_998 = tpu.vector_load %arg10[%get3A_996, %get3A_997] {strides = array<i32>} : memref<80x128xf32, #tpu.memory_space<vmem>>, vector<16xf32>,
        %mul3A_999 = arith.mulf %get3A_995, %get3A_998 : vector<16xf32>
        %get3A_1000 = arith.index_cast %add3A_985 : i32 to index
        %get3A_1001 = arith.constant 32 : index
        %get3A_1002 = tpu.vector_load %arg9[%get3A_1000, %get3A_1001] {strides = array<i32>} : memref<80x128xf32, #tpu.memory_space<vmem>>, vector<16xf32>,
        %get3A_1003 = arith.index_cast %add3A_985 : i32 to index
        %get3A_1004 = arith.constant 32 : index
        %get3A_1005 = tpu.vector_load %arg10[%get3A_1003, %get3A_1004] {strides = array<i32>} : memref<80x128xf32, #tpu.memory_space<vmem>>, vector<16xf32>,
        %mul3A_1006 = arith.mulf %get3A_1002, %get3A_1005 : vector<16xf32>
        %get3A_1007 = arith.index_cast %add3A_985 : i32 to index
        %get3A_1008 = arith.constant 48 : index
        %get3A_1009 = tpu.vector_load %arg9[%get3A_1007, %get3A_1008] {strides = array<i32>} : memref<80x128xf32, #tpu.memory_space<vmem>>, vector<16xf32>,
        %get3A_1010 = arith.index_cast %add3A_985 : i32 to index
        %get3A_1011 = arith.constant 48 : index
        %get3A_1012 = tpu.vector_load %arg10[%get3A_1010, %get3A_1011] {strides = array<i32>} : memref<80x128xf32, #tpu.memory_space<vmem>>, vector<16xf32>,
        %mul3A_1013 = arith.mulf %get3A_1009, %get3A_1012 : vector<16xf32>
        %get3A_1014 = arith.index_cast %add3A_985 : i32 to index
        %get3A_1015 = arith.constant 64 : index
        %get3A_1016 = tpu.vector_load %arg9[%get3A_1014, %get3A_1015] {strides = array<i32>} : memref<80x128xf32, #tpu.memory_space<vmem>>, vector<16xf32>,
        %get3A_1017 = arith.index_cast %add3A_985 : i32 to index
        %get3A_1018 = arith.constant 64 : index
        %get3A_1019 = tpu.vector_load %arg10[%get3A_1017, %get3A_1018] {strides = array<i32>} : memref<80x128xf32, #tpu.memory_space<vmem>>, vector<16xf32>,
        %mul3A_1020 = arith.mulf %get3A_1016, %get3A_1019 : vector<16xf32>
        %get3A_1021 = arith.index_cast %add3A_985 : i32 to index
        %get3A_1022 = arith.constant 80 : index
        %get3A_1023 = tpu.vector_load %arg9[%get3A_1021, %get3A_1022] {strides = array<i32>} : memref<80x128xf32, #tpu.memory_space<vmem>>, vector<16xf32>,
        %get3A_1024 = arith.index_cast %add3A_985 : i32 to index
        %get3A_1025 = arith.constant 80 : index
        %get3A_1026 = tpu.vector_load %arg10[%get3A_1024, %get3A_1025] {strides = array<i32>} : memref<80x128xf32, #tpu.memory_space<vmem>>, vector<16xf32>,
        %mul3A_1027 = arith.mulf %get3A_1023, %get3A_1026 : vector<16xf32>
        %get3A_1028 = arith.index_cast %add3A_985 : i32 to index
        %get3A_1029 = arith.constant 96 : index
        %get3A_1030 = tpu.vector_load %arg9[%get3A_1028, %get3A_1029] {strides = array<i32>} : memref<80x128xf32, #tpu.memory_space<vmem>>, vector<16xf32>,
        %get3A_1031 = arith.index_cast %add3A_985 : i32 to index
        %get3A_1032 = arith.constant 96 : index
        %get3A_1033 = tpu.vector_load %arg10[%get3A_1031, %get3A_1032] {strides = array<i32>} : memref<80x128xf32, #tpu.memory_space<vmem>>, vector<16xf32>,
        %mul3A_1034 = arith.mulf %get3A_1030, %get3A_1033 : vector<16xf32>
        %get3A_1035 = arith.index_cast %add3A_985 : i32 to index
        %get3A_1036 = arith.constant 112 : index
        %get3A_1037 = tpu.vector_load %arg9[%get3A_1035, %get3A_1036] {strides = array<i32>} : memref<80x128xf32, #tpu.memory_space<vmem>>, vector<16xf32>,
        %get3A_1038 = arith.index_cast %add3A_985 : i32 to index
        %get3A_1039 = arith.constant 112 : index
        %get3A_1040 = tpu.vector_load %arg10[%get3A_1038, %get3A_1039] {strides = array<i32>} : memref<80x128xf32, #tpu.memory_space<vmem>>, vector<16xf32>,
        %mul3A_1041 = arith.mulf %get3A_1037, %get3A_1040 : vector<16xf32>
        %add3A_1042 = arith.addf %mul3A_992, %mul3A_999 : vector<16xf32>
        %add3A_1043 = arith.addf %mul3A_1006, %mul3A_1013 : vector<16xf32>
        %add3A_1044 = arith.addf %mul3A_1020, %mul3A_1027 : vector<16xf32>
        %add3A_1045 = arith.addf %mul3A_1034, %mul3A_1041 : vector<16xf32>
        %add3A_1046 = arith.addf %add3A_1042, %add3A_1043 : vector<16xf32>
        %add3A_1047 = arith.addf %add3A_1044, %add3A_1045 : vector<16xf32>
        %add3A_1048 = arith.addf %add3A_1046, %add3A_1047 : vector<16xf32>
        %swap3A_1049 = arith.constant 238 : index
        %swap3A_1050 = tpu.vector_load %arg14[%swap3A_1049] {strides = array<i32>} : memref<272xf32, #tpu.memory_space<vmem>>, vector<16xf32>,
        tpu.vector_store %arg14[%swap3A_1049], %add3A_1048 {strides = array<i32>} : memref<272xf32, #tpu.memory_space<vmem>>, vector<16xf32>,
        %add3A_1051 = arith.constant 15 : i32
        %add3A_1052 = arith.addi %mul3A_47, %add3A_1051 : i32
        %get3A_1053 = arith.index_cast %add3A_1052 : i32 to index
        %get3A_1054 = arith.constant 0 : index
        %get3A_1055 = tpu.vector_load %arg9[%get3A_1053, %get3A_1054] {strides = array<i32>} : memref<80x128xf32, #tpu.memory_space<vmem>>, vector<16xf32>,
        %get3A_1056 = arith.index_cast %add3A_1052 : i32 to index
        %get3A_1057 = arith.constant 0 : index
        %get3A_1058 = tpu.vector_load %arg10[%get3A_1056, %get3A_1057] {strides = array<i32>} : memref<80x128xf32, #tpu.memory_space<vmem>>, vector<16xf32>,
        %mul3A_1059 = arith.mulf %get3A_1055, %get3A_1058 : vector<16xf32>
        %get3A_1060 = arith.index_cast %add3A_1052 : i32 to index
        %get3A_1061 = arith.constant 16 : index
        %get3A_1062 = tpu.vector_load %arg9[%get3A_1060, %get3A_1061] {strides = array<i32>} : memref<80x128xf32, #tpu.memory_space<vmem>>, vector<16xf32>,
        %get3A_1063 = arith.index_cast %add3A_1052 : i32 to index
        %get3A_1064 = arith.constant 16 : index
        %get3A_1065 = tpu.vector_load %arg10[%get3A_1063, %get3A_1064] {strides = array<i32>} : memref<80x128xf32, #tpu.memory_space<vmem>>, vector<16xf32>,
        %mul3A_1066 = arith.mulf %get3A_1062, %get3A_1065 : vector<16xf32>
        %get3A_1067 = arith.index_cast %add3A_1052 : i32 to index
        %get3A_1068 = arith.constant 32 : index
        %get3A_1069 = tpu.vector_load %arg9[%get3A_1067, %get3A_1068] {strides = array<i32>} : memref<80x128xf32, #tpu.memory_space<vmem>>, vector<16xf32>,
        %get3A_1070 = arith.index_cast %add3A_1052 : i32 to index
        %get3A_1071 = arith.constant 32 : index
        %get3A_1072 = tpu.vector_load %arg10[%get3A_1070, %get3A_1071] {strides = array<i32>} : memref<80x128xf32, #tpu.memory_space<vmem>>, vector<16xf32>,
        %mul3A_1073 = arith.mulf %get3A_1069, %get3A_1072 : vector<16xf32>
        %get3A_1074 = arith.index_cast %add3A_1052 : i32 to index
        %get3A_1075 = arith.constant 48 : index
        %get3A_1076 = tpu.vector_load %arg9[%get3A_1074, %get3A_1075] {strides = array<i32>} : memref<80x128xf32, #tpu.memory_space<vmem>>, vector<16xf32>,
        %get3A_1077 = arith.index_cast %add3A_1052 : i32 to index
        %get3A_1078 = arith.constant 48 : index
        %get3A_1079 = tpu.vector_load %arg10[%get3A_1077, %get3A_1078] {strides = array<i32>} : memref<80x128xf32, #tpu.memory_space<vmem>>, vector<16xf32>,
        %mul3A_1080 = arith.mulf %get3A_1076, %get3A_1079 : vector<16xf32>
        %get3A_1081 = arith.index_cast %add3A_1052 : i32 to index
        %get3A_1082 = arith.constant 64 : index
        %get3A_1083 = tpu.vector_load %arg9[%get3A_1081, %get3A_1082] {strides = array<i32>} : memref<80x128xf32, #tpu.memory_space<vmem>>, vector<16xf32>,
        %get3A_1084 = arith.index_cast %add3A_1052 : i32 to index
        %get3A_1085 = arith.constant 64 : index
        %get3A_1086 = tpu.vector_load %arg10[%get3A_1084, %get3A_1085] {strides = array<i32>} : memref<80x128xf32, #tpu.memory_space<vmem>>, vector<16xf32>,
        %mul3A_1087 = arith.mulf %get3A_1083, %get3A_1086 : vector<16xf32>
        %get3A_1088 = arith.index_cast %add3A_1052 : i32 to index
        %get3A_1089 = arith.constant 80 : index
        %get3A_1090 = tpu.vector_load %arg9[%get3A_1088, %get3A_1089] {strides = array<i32>} : memref<80x128xf32, #tpu.memory_space<vmem>>, vector<16xf32>,
        %get3A_1091 = arith.index_cast %add3A_1052 : i32 to index
        %get3A_1092 = arith.constant 80 : index
        %get3A_1093 = tpu.vector_load %arg10[%get3A_1091, %get3A_1092] {strides = array<i32>} : memref<80x128xf32, #tpu.memory_space<vmem>>, vector<16xf32>,
        %mul3A_1094 = arith.mulf %get3A_1090, %get3A_1093 : vector<16xf32>
        %get3A_1095 = arith.index_cast %add3A_1052 : i32 to index
        %get3A_1096 = arith.constant 96 : index
        %get3A_1097 = tpu.vector_load %arg9[%get3A_1095, %get3A_1096] {strides = array<i32>} : memref<80x128xf32, #tpu.memory_space<vmem>>, vector<16xf32>,
        %get3A_1098 = arith.index_cast %add3A_1052 : i32 to index
        %get3A_1099 = arith.constant 96 : index
        %get3A_1100 = tpu.vector_load %arg10[%get3A_1098, %get3A_1099] {strides = array<i32>} : memref<80x128xf32, #tpu.memory_space<vmem>>, vector<16xf32>,
        %mul3A_1101 = arith.mulf %get3A_1097, %get3A_1100 : vector<16xf32>
        %get3A_1102 = arith.index_cast %add3A_1052 : i32 to index
        %get3A_1103 = arith.constant 112 : index
        %get3A_1104 = tpu.vector_load %arg9[%get3A_1102, %get3A_1103] {strides = array<i32>} : memref<80x128xf32, #tpu.memory_space<vmem>>, vector<16xf32>,
        %get3A_1105 = arith.index_cast %add3A_1052 : i32 to index
        %get3A_1106 = arith.constant 112 : index
        %get3A_1107 = tpu.vector_load %arg10[%get3A_1105, %get3A_1106] {strides = array<i32>} : memref<80x128xf32, #tpu.memory_space<vmem>>, vector<16xf32>,
        %mul3A_1108 = arith.mulf %get3A_1104, %get3A_1107 : vector<16xf32>
        %add3A_1109 = arith.addf %mul3A_1059, %mul3A_1066 : vector<16xf32>
        %add3A_1110 = arith.addf %mul3A_1073, %mul3A_1080 : vector<16xf32>
        %add3A_1111 = arith.addf %mul3A_1087, %mul3A_1094 : vector<16xf32>
        %add3A_1112 = arith.addf %mul3A_1101, %mul3A_1108 : vector<16xf32>
        %add3A_1113 = arith.addf %add3A_1109, %add3A_1110 : vector<16xf32>
        %add3A_1114 = arith.addf %add3A_1111, %add3A_1112 : vector<16xf32>
        %add3A_1115 = arith.addf %add3A_1113, %add3A_1114 : vector<16xf32>
        %swap3A_1116 = arith.constant 255 : index
        %swap3A_1117 = tpu.vector_load %arg14[%swap3A_1116] {strides = array<i32>} : memref<272xf32, #tpu.memory_space<vmem>>, vector<16xf32>,
        tpu.vector_store %arg14[%swap3A_1116], %add3A_1115 {strides = array<i32>} : memref<272xf32, #tpu.memory_space<vmem>>, vector<16xf32>,
        %gather3A = tpu.vector_load_idx %arg14[%mul3A_35] : memref<272xf32, #tpu.memory_space<vmem>>[vector<16xi32>], vector<16xf32>,
        %add3A_1118 = arith.constant 1 : i32
        %add3A_1119 = vector.broadcast %add3A_1118 : i32 to vector<16xi32>
        %add3A_1120 = arith.addi %mul3A_35, %add3A_1119 : vector<16xi32>
        %gather3A_1121 = tpu.vector_load_idx %arg14[%add3A_1120] : memref<272xf32, #tpu.memory_space<vmem>>[vector<16xi32>], vector<16xf32>,
        %add3A_1122 = arith.addf %gather3A, %gather3A_1121 : vector<16xf32>
        %add3A_1123 = arith.constant 2 : i32
        %add3A_1124 = vector.broadcast %add3A_1123 : i32 to vector<16xi32>
        %add3A_1125 = arith.addi %mul3A_35, %add3A_1124 : vector<16xi32>
        %gather3A_1126 = tpu.vector_load_idx %arg14[%add3A_1125] : memref<272xf32, #tpu.memory_space<vmem>>[vector<16xi32>], vector<16xf32>,
        %add3A_1127 = arith.addf %add3A_1122, %gather3A_1126 : vector<16xf32>
        %add3A_1128 = arith.constant 3 : i32
        %add3A_1129 = vector.broadcast %add3A_1128 : i32 to vector<16xi32>
        %add3A_1130 = arith.addi %mul3A_35, %add3A_1129 : vector<16xi32>
        %gather3A_1131 = tpu.vector_load_idx %arg14[%add3A_1130] : memref<272xf32, #tpu.memory_space<vmem>>[vector<16xi32>], vector<16xf32>,
        %add3A_1132 = arith.addf %add3A_1127, %gather3A_1131 : vector<16xf32>
        %add3A_1133 = arith.constant 4 : i32
        %add3A_1134 = vector.broadcast %add3A_1133 : i32 to vector<16xi32>
        %add3A_1135 = arith.addi %mul3A_35, %add3A_1134 : vector<16xi32>
        %gather3A_1136 = tpu.vector_load_idx %arg14[%add3A_1135] : memref<272xf32, #tpu.memory_space<vmem>>[vector<16xi32>], vector<16xf32>,
        %add3A_1137 = arith.addf %add3A_1132, %gather3A_1136 : vector<16xf32>
        %add3A_1138 = arith.constant 5 : i32
        %add3A_1139 = vector.broadcast %add3A_1138 : i32 to vector<16xi32>
        %add3A_1140 = arith.addi %mul3A_35, %add3A_1139 : vector<16xi32>
        %gather3A_1141 = tpu.vector_load_idx %arg14[%add3A_1140] : memref<272xf32, #tpu.memory_space<vmem>>[vector<16xi32>], vector<16xf32>,
        %add3A_1142 = arith.addf %add3A_1137, %gather3A_1141 : vector<16xf32>
        %add3A_1143 = arith.constant 6 : i32
        %add3A_1144 = vector.broadcast %add3A_1143 : i32 to vector<16xi32>
        %add3A_1145 = arith.addi %mul3A_35, %add3A_1144 : vector<16xi32>
        %gather3A_1146 = tpu.vector_load_idx %arg14[%add3A_1145] : memref<272xf32, #tpu.memory_space<vmem>>[vector<16xi32>], vector<16xf32>,
        %add3A_1147 = arith.addf %add3A_1142, %gather3A_1146 : vector<16xf32>
        %add3A_1148 = arith.constant 7 : i32
        %add3A_1149 = vector.broadcast %add3A_1148 : i32 to vector<16xi32>
        %add3A_1150 = arith.addi %mul3A_35, %add3A_1149 : vector<16xi32>
        %gather3A_1151 = tpu.vector_load_idx %arg14[%add3A_1150] : memref<272xf32, #tpu.memory_space<vmem>>[vector<16xi32>], vector<16xf32>,
        %add3A_1152 = arith.addf %add3A_1147, %gather3A_1151 : vector<16xf32>
        %add3A_1153 = arith.constant 8 : i32
        %add3A_1154 = vector.broadcast %add3A_1153 : i32 to vector<16xi32>
        %add3A_1155 = arith.addi %mul3A_35, %add3A_1154 : vector<16xi32>
        %gather3A_1156 = tpu.vector_load_idx %arg14[%add3A_1155] : memref<272xf32, #tpu.memory_space<vmem>>[vector<16xi32>], vector<16xf32>,
        %add3A_1157 = arith.addf %add3A_1152, %gather3A_1156 : vector<16xf32>
        %add3A_1158 = arith.constant 9 : i32
        %add3A_1159 = vector.broadcast %add3A_1158 : i32 to vector<16xi32>
        %add3A_1160 = arith.addi %mul3A_35, %add3A_1159 : vector<16xi32>
        %gather3A_1161 = tpu.vector_load_idx %arg14[%add3A_1160] : memref<272xf32, #tpu.memory_space<vmem>>[vector<16xi32>], vector<16xf32>,
        %add3A_1162 = arith.addf %add3A_1157, %gather3A_1161 : vector<16xf32>
        %add3A_1163 = arith.constant 10 : i32
        %add3A_1164 = vector.broadcast %add3A_1163 : i32 to vector<16xi32>
        %add3A_1165 = arith.addi %mul3A_35, %add3A_1164 : vector<16xi32>
        %gather3A_1166 = tpu.vector_load_idx %arg14[%add3A_1165] : memref<272xf32, #tpu.memory_space<vmem>>[vector<16xi32>], vector<16xf32>,
        %add3A_1167 = arith.addf %add3A_1162, %gather3A_1166 : vector<16xf32>
        %add3A_1168 = arith.constant 11 : i32
        %add3A_1169 = vector.broadcast %add3A_1168 : i32 to vector<16xi32>
        %add3A_1170 = arith.addi %mul3A_35, %add3A_1169 : vector<16xi32>
        %gather3A_1171 = tpu.vector_load_idx %arg14[%add3A_1170] : memref<272xf32, #tpu.memory_space<vmem>>[vector<16xi32>], vector<16xf32>,
        %add3A_1172 = arith.addf %add3A_1167, %gather3A_1171 : vector<16xf32>
        %add3A_1173 = arith.constant 12 : i32
        %add3A_1174 = vector.broadcast %add3A_1173 : i32 to vector<16xi32>
        %add3A_1175 = arith.addi %mul3A_35, %add3A_1174 : vector<16xi32>
        %gather3A_1176 = tpu.vector_load_idx %arg14[%add3A_1175] : memref<272xf32, #tpu.memory_space<vmem>>[vector<16xi32>], vector<16xf32>,
        %add3A_1177 = arith.addf %add3A_1172, %gather3A_1176 : vector<16xf32>
        %add3A_1178 = arith.constant 13 : i32
        %add3A_1179 = vector.broadcast %add3A_1178 : i32 to vector<16xi32>
        %add3A_1180 = arith.addi %mul3A_35, %add3A_1179 : vector<16xi32>
        %gather3A_1181 = tpu.vector_load_idx %arg14[%add3A_1180] : memref<272xf32, #tpu.memory_space<vmem>>[vector<16xi32>], vector<16xf32>,
        %add3A_1182 = arith.addf %add3A_1177, %gather3A_1181 : vector<16xf32>
        %add3A_1183 = arith.constant 14 : i32
        %add3A_1184 = vector.broadcast %add3A_1183 : i32 to vector<16xi32>
        %add3A_1185 = arith.addi %mul3A_35, %add3A_1184 : vector<16xi32>
        %gather3A_1186 = tpu.vector_load_idx %arg14[%add3A_1185] : memref<272xf32, #tpu.memory_space<vmem>>[vector<16xi32>], vector<16xf32>,
        %add3A_1187 = arith.addf %add3A_1182, %gather3A_1186 : vector<16xf32>
        %add3A_1188 = arith.constant 15 : i32
        %add3A_1189 = vector.broadcast %add3A_1188 : i32 to vector<16xi32>
        %add3A_1190 = arith.addi %mul3A_35, %add3A_1189 : vector<16xi32>
        %gather3A_1191 = tpu.vector_load_idx %arg14[%add3A_1190] : memref<272xf32, #tpu.memory_space<vmem>>[vector<16xi32>], vector<16xf32>,
        %add3A_1192 = arith.addf %add3A_1187, %gather3A_1191 : vector<16xf32>
        %add3A_1193 = arith.addi %mul3A_32, %mul3A_47 : i32
        %swap3A_1194 = arith.index_cast %add3A_1193 : i32 to index
        %swap3A_1195 = tpu.vector_load %arg13[%swap3A_1194] {strides = array<i32>} : memref<10000xf32, #tpu.memory_space<vmem>>, vector<16xf32>,
        tpu.vector_store %arg13[%swap3A_1194], %add3A_1192 {strides = array<i32>} : memref<10000xf32, #tpu.memory_space<vmem>>, vector<16xf32>,
        %scan3A_1196 = arith.constant 0 : i32
        scf.yield %scan3A_1196 : i32
      }
      %scan3A_42 = arith.constant 5 : i32
      %scan3A_43 = arith.constant 0 : i32
      scf.yield %scan3A_43 : i32
    }
    %scan3A_28 = arith.constant 125 : i32
    "tpu.region"() ({
      %run_scoped3A = tpu.sem_alloc : memref<!tpu.dma_semaphore, #tpu.memory_space<semaphore_mem>>
      %dma_start3A_29 = tpu.memref_slice %arg6[%mul3A_2] : memref<320000xf32, #tpu.memory_space<hbm>> -> memref<10000xf32, #tpu.memory_space<hbm>>
      %dma_start3A_30 = tpu.memref_slice %arg6[%mul3A_2] : memref<320000xf32, #tpu.memory_space<hbm>> -> memref<10000xf32, #tpu.memory_space<hbm>>
      tpu.enqueue_dma source(%arg13 : memref<10000xf32, #tpu.memory_space<vmem>>) target(%dma_start3A_30 : memref<10000xf32, #tpu.memory_space<hbm>>) target_semaphore(%run_scoped3A : memref<!tpu.dma_semaphore, #tpu.memory_space<semaphore_mem>>)
      %dma_wait3A_31 = tpu.memref_slice %arg6[%mul3A_2] : memref<320000xf32, #tpu.memory_space<hbm>> -> memref<10000xf32, #tpu.memory_space<hbm>>
      %dma_wait3A_32 = tpu.memref_slice %arg6[%mul3A_2] : memref<320000xf32, #tpu.memory_space<hbm>> -> memref<10000xf32, #tpu.memory_space<hbm>>
      tpu.wait_dma2 semaphore(%run_scoped3A : memref<!tpu.dma_semaphore, #tpu.memory_space<semaphore_mem>>) src(%arg13 : memref<10000xf32, #tpu.memory_space<vmem>>) dst(%dma_wait3A_32 : memref<10000xf32, #tpu.memory_space<hbm>>)
      tpu.yield
    }) : () -> ()
    return
  }
}

</mosaic_0001>

<sc_bundles>
// kernel: kernel.3.cloned.1.call-start
scs
__scs_entry_jumppad:
0x0: {  	(pc) =	sbr.rel $0x88, $3  }
0x1: {  	(tag) =	ssettag $0x0;
	lr =	simm.s32 $0x1  }
0x2: {  	[smem:$0x3F9E] =	sst lr;
	_ =	strace $0xD0000000  }
0x3: {  	_ = 	snop  }
0x4: {  	_ = 	snop  }
0x5: {  	_ = 	snop  }
0x6: {  	_ = 	snop  }
0x7: {  	_ = 	snop  }
__scs_overlays_trampoline_lowered:
0x8: {  	[smem:$0x3FAD] =	sst s0  }
0x9: {  	[smem:$0x3FAE] =	sst s1  }
0xa: {  	[smem:$0x3FAF] =	sst s2  }
0xb: {  	[smem:$0x3FB0] =	sst s3  }
0xc: {  	[smem:$0x3FB1] =	sst s4  }
0xd: {  	[smem:$0x3FB2] =	sst s5  }
0xe: {  	[smem:$0x3FB3] =	sst s6  }
0xf: {  	[smem:$0x3FB4] =	sst s7  }
0x10: {  	[smem:$0x3FB5] =	sst s8  }
0x11: {  	[smem:$0x3FB6] =	sst s9;
	s0 =	simm.s32 @!p0 $0x0  }
0x12: {  	s1 =	sld [smem:$0x3F9C];
	s0 =	simm.s32 @p0 $0x1  }
0x13: {  	[smem:$0x3FB7] =	sst s0;
	s0 =	simm.s32 @!p1 $0x0  }
0x14: {  	s2 =	sld [smem:$0x3F9B];
	s0 =	simm.s32 @p1 $0x1  }
0x15: {  	[smem:$0x3FB8] =	sst s0;
	s0 =	simm.s32 @!p2 $0x0  }
0x16: {  	s3 =	sld [smem:$0x3FDB];
	s0 =	simm.s32 @p2 $0x1  }
0x17: {  	s4 =	simm.s32 $0x1BF5;
	[smem:$0x3FBA] =	sst s0  }
0x18: {  	s0 =	sld [smem:$0x3F9D];
	_ =	swait.ge [sflag:s4], $0x0  }
0x19: {  	s7 =	sld [smem:$0x3F9E]  }
0x1a: {  	s8 =	sadd.s32 $0xFFFFE003, lr  }
0x1b: {  	s9 =	sadd.s32 $0xFFFFFEF7, lr;
	s5 =	simm.s32 $0xFFFFFFFF;
	p2 =	slt.u32 s8, $0xFFFFF086  }
0x1c: {  	p1 =	slt.u32 s9, $0xF7A;
	s5 =	simm.s32 @!p2 $0x0  }
0x1d: {  	s5 =	simm.s32 @p1 $0x1;
	p0 =	seq.s32 s7, s2  }
0x1e: {  	s7 =	smul.u32 @!p0 $0xF7A, s2;
	p2 =	seq.s32 @!p0 s5, $0x0  }
0x1f: {  	s9 =	smul.u32 $0xF7A, s1;
	s8 =	simm.s32 @!p0 $0x1BF5;
	p2 =	por !p2, p0  }
0x20: {  	[sflag:s8] =	ssyncset.s32 @!p0 $0xFFFFF086;
	s6 =	sadd.s32 @!p0 s3, s7;
	s7 =	simm.s32 @!p0 $0x108  }
0x21: {  	s3 =	sadd.s32 s3, s9;
	s6 =	sadd.s32 @!p0 $0x88, s6;
	s7 =	simm.s32 @p2 $0x1082  }
0x22: {  	[simem:s7], [sflag:s8] =	dma.local @!p0 [hbm:s6], $0xF7A  }
0x23: {  	s9 =	sor.u32 $0xD0000000, s2;
	s6 =	simm.s32 $0x108;
	_ =	swait.ge @!p0 [sflag:s8], $0x0  }
0x24: {  	s3 =	sadd.s32 $0x88, s3;
	s6 =	simm.s32 @!p1 $0x1082;
	[sflag:s4] =	ssyncset.s32 $0xFFFFF086  }
0x25: {  	[simem:s6], [sflag:s4] =	dma.local [hbm:s3], $0xF7A  }
0x26: {  	[smem:$0x3F9E] =	sst s1;
	(tag) =	ssettag s2;
	_ =	strace s9  }
0x27: {  	s1 =	sld [smem:$0x3FAE]  }
0x28: {  	s2 =	sld [smem:$0x3FAF]  }
0x29: {  	s4 =	sld [smem:$0x3FB1]  }
0x2a: {  	p0 =	seq.s32 s5, $0x0;
	s5 =	sld [smem:$0x3FB2]  }
0x2b: {  	s6 =	sld [smem:$0x3FB3]  }
0x2c: {  	s7 =	sld [smem:$0x3FB4]  }
0x2d: {  	s3 =	simm.s32 $0x108;
	s8 =	sld [smem:$0x3FB5]  }
0x2e: {  	s3 =	simm.s32 @!p0 $0x1082;
	s9 =	sld [smem:$0x3FB6]  }
0x2f: {  	lr =	sadd.s32 s0, s3;
	s0 =	sld [smem:$0x3FAD]  }
0x30: {  	s3 =	sld [smem:$0x3FB0]  }
0x31: {  	[smem:$0x3FB9] =	sst s10  }
0x32: {  	s10 =	sld [smem:$0x3FB7];
	_ =	sdelay $0x3  }
0x33: {  	p0 =	seq.s32 s10, $0x1;
	s10 =	sld [smem:$0x3FB9];
	_ =	sdelay $0x3  }
0x34: {  	[smem:$0x3FB9] =	sst s10  }
0x35: {  	s10 =	sld [smem:$0x3FB8];
	_ =	sdelay $0x3  }
0x36: {  	p1 =	seq.s32 s10, $0x1;
	s10 =	sld [smem:$0x3FB9];
	_ =	sdelay $0x3  }
0x37: {  	[smem:$0x3FB9] =	sst s10  }
0x38: {  	s10 =	sld [smem:$0x3FBA]  }
0x39: {  	_ = 	snop;
	(pc) =	sbr.ind lr, $3  }
0x3a: {  	_ = 	snop  }
0x3b: {  	_ = 	snop  }
0x3c: {  	p2 =	seq.s32 s10, $0x1;
	s10 =	sld [smem:$0x3FB9]  }
0x3d: {  	_ =	shalt  }
0x3e: {  	_ =	shalt  }
0x3f: {  	_ =	shalt  }
0x40: {  	_ =	shalt  }
0x41: {  	_ =	shalt  }
0x42: {  	_ =	shalt  }
0x43: {  	_ =	shalt  }
0x44: {  	_ =	shalt  }
0x45: {  	_ =	shalt  }
0x46: {  	_ =	shalt  }
0x47: {  	_ =	shalt  }
0x48: {  	_ =	shalt  }
0x49: {  	_ =	shalt  }
0x4a: {  	_ =	shalt  }
0x4b: {  	_ =	shalt  }
0x4c: {  	_ =	shalt  }
0x4d: {  	_ =	shalt  }
0x4e: {  	_ =	shalt  }
0x4f: {  	_ =	shalt  }
0x50: {  	_ =	shalt  }
0x51: {  	_ =	shalt  }
0x52: {  	_ =	shalt  }
0x53: {  	_ =	shalt  }
0x54: {  	_ =	shalt  }
0x55: {  	_ =	shalt  }
0x56: {  	_ =	shalt  }
0x57: {  	_ =	shalt  }
0x58: {  	_ =	shalt  }
0x59: {  	_ =	shalt  }
0x5a: {  	_ =	shalt  }
0x5b: {  	_ =	shalt  }
0x5c: {  	_ =	shalt  }
0x5d: {  	_ =	shalt  }
0x5e: {  	_ =	shalt  }
0x5f: {  	_ =	shalt  }
0x60: {  	_ =	shalt  }
0x61: {  	_ =	shalt  }
0x62: {  	_ =	shalt  }
0x63: {  	_ =	shalt  }
0x64: {  	_ =	shalt  }
0x65: {  	_ =	shalt  }
0x66: {  	_ =	shalt  }
0x67: {  	_ =	shalt  }
0x68: {  	_ =	shalt  }
0x69: {  	_ =	shalt  }
0x6a: {  	_ =	shalt  }
0x6b: {  	_ =	shalt  }
0x6c: {  	_ =	shalt  }
0x6d: {  	_ =	shalt  }
0x6e: {  	_ =	shalt  }
0x6f: {  	_ =	shalt  }
0x70: {  	_ =	shalt  }
0x71: {  	_ =	shalt  }
0x72: {  	_ =	shalt  }
0x73: {  	_ =	shalt  }
0x74: {  	_ =	shalt  }
0x75: {  	_ =	shalt  }
0x76: {  	_ =	shalt  }
0x77: {  	_ =	shalt  }
0x78: {  	_ =	shalt  }
0x79: {  	_ =	shalt  }
0x7a: {  	_ =	shalt  }
0x7b: {  	_ =	shalt  }
0x7c: {  	_ =	shalt  }
0x7d: {  	_ =	shalt  }
0x7e: {  	_ =	shalt  }
0x7f: {  	_ =	shalt  }
0x80: {  	_ =	shalt  }
0x81: {  	_ =	shalt  }
0x82: {  	_ =	shalt  }
0x83: {  	_ =	shalt  }
0x84: {  	_ =	shalt  }
0x85: {  	_ =	shalt  }
0x86: {  	_ =	shalt  }
0x87: {  	_ =	shalt  }
.Lfunc_end0:
.L_simem_size_0:
called_computation_lowered:
.L_overlay_start_0:
0x88: {  	s2 =	sld [smem:$0x3FD9]  }
0x89: {  	s3 =	sld [smem:$0x3FFE];
	_ =	sdelay $0x1  }
0x8a: {  	s1 =	srdreg.scid  }
0x8b: {  	s0 =	sand.u32 $0x1, s1  }
0x8c: {  	s17 =	sshll.u32 s0, $0xA;
	s2 =	sadd.s32 s3, s2  }
0x8d: {  	s2 =	sadd.s32 s2, s17  }
0x8e: {  	[smem:$0x3FC5] =	sst s2  }
0x8f: {  	_ = 	snop  }
0x90: {  	s2 =	sld [smem:$0x3FC9]  }
0x91: {  	s18 =	sld [smem:$0x3FC8]  }
0x92: {  	s4 =	sld [smem:$0x3FD0];
	(tm) =	ssettm $0x1  }
0x93: {  	s5 =	sld [smem:$0x3FFB];
	_ =	sdelay $0x3  }
0x94: {  	_ =	strace s5  }
0x95: {  	s5 =	sld [smem:$0x3FFC];
	_ =	sdelay $0x3  }
0x96: {  	_ =	strace s5  }
0x97: {  	s5 =	sld [smem:$0x3FFD];
	_ =	sdelay $0x3  }
0x98: {  	_ =	strace s5  }
0x99: {  	_ =	strace $0x8FFFFFFF  }
0x9a: {  	s19 =	sld [smem:$0x3FDB];
	_ =	sdelay $0x1  }
0x9b: {  	s6 =	simm.s32 $_scs_section_size  }
0x9c: {  	s7 =	simm.s32 $_size__tile_overlayer_lowered;
	s8 =	simm.s32 $_tile_overlayer_lowered  }
0x9d: {  	s22 =	simm.s32 $0x1BFF;
	s21 =	sshll.u32 s8, $0x1;
	s5 =	sadd.s32 s6, s19  }
0x9e: {  	s9 =	simm.s32 $0x0;
	s20 =	sshll.u32 s7, $0x1;
	s7 =	sadd.s32 s21, s5  }
0x9f: {  	[timem:s9], [sflag:s22] =	dma.local [hbm:s7], s20  }
0xa0: {  	_ =	swait.ge [sflag:s22], s20  }
0xa1: {  	s6 =	ssub.s32 $0x0, s20;
	[sflag:s22] =	ssyncset.done $0x0  }
0xa2: {  	[sflag:s22] =	ssyncadd.s32 s6;
	_ =	sdelay $0x1  }
0xa3: {  	s23 =	simm.s32 $0x1B8B  }
0xa4: {  	_ =	swait.ge [sflag:s23], $0x1  }
0xa5: {  	[sflag:s23] =	ssyncset.done $0x0  }
0xa6: {  	s25 =	simm.s32 $0x1B8E;
	s24 =	sld [smem:$0x3FFE];
	[sflag:s23] =	ssyncadd.s32 $0xFFFFFFFF  }
0xa7: {  	s26 =	simm.s32 $execute0_lowered;
	[smem:$0x3FD2] =	sst s25  }
0xa8: {  	s7 =	sshll.u32 s26, $0x1;
	_ =	strace $0x80000046;
	[dreg:$0x1] =	wrdreg $0xFFFFFFFF  }
0xa9: {  	s28 =	simm.s32 $_size_execute0_lowered;
	s5 =	sadd.s32 s5, s7;
	[dreg:$0x0] =	wrdreg $0x0  }
0xaa: {  	s7 =	sshll.u32 s28, $0x1;
	[dreg:$0x2] =	wrdreg s5  }
0xab: {  	[dreg:$0x3] =	wrdreg s7  }
0xac: {  	[dreg:$0x4] =	wrdreg $0xC0  }
0xad: {  	_ =	task [dreg:s9], $0x5FFFF  }
0xae: {  	[dreg:$0x1] =	wrdreg $0xFFFFFFFF  }
0xaf: {  	[dreg:$0x0] =	wrdreg $0x60  }
0xb0: {  	[dreg:$0x2] =	wrdreg s2  }
0xb1: {  	[dreg:$0x3] =	wrdreg s18  }
0xb2: {  	[dreg:$0x4] =	wrdreg s24  }
0xb3: {  	[dreg:$0x5] =	wrdreg s4  }
0xb4: {  	[dreg:$0x6] =	wrdreg $0x9  }
0xb5: {  	_ =	task.clear_ibuf [dreg:s9], $0x7FFFF;
	_ =	strace $0x90000046  }
0xb6: {  	s29 =	simm.s32 $0x9;
	_ =	strace $0x80000048  }
0xb7: {  	_ =	swait.ge [sflag:s29], $0x1  }
0xb8: {  	[sflag:s29] =	ssyncadd.s32 $0xFFFFFFFF  }
0xb9: {  	_ =	strace $0x90000048  }
0xba: {  	_ =	sfence  }
0xbb: {  	s30 =	sld [smem:$0x0];
	_ =	sdelay $0x2  }
0xbc: {  	s31 =	sshll.u32 s1, $0xD;
	s1 =	sshrl.u32 s1, $0x2  }
0xbd: {  	s3 =	sand.u32 $0x4000, s31;
	s1 =	sadd.s32 s1, s30  }
0xbe: {  	s0 =	sor.u32 s3, s0;
	s1 =	sshll.u32 s1, $0x11  }
0xbf: {  	s0 =	sor.u32 s1, s0  }
0xc0: {  	s0 =	sadd.s32 $0x8F2B, s0  }
0xc1: {  	[sflag:s0] =	ssyncadd.remote.s32 $0x1  }
0xc2: {  	_ =	sfence.sel $0xFFFF  }
0xc3: {  	[dreg:$0x0] =	wrdreg $0xFFFFFFFF;
	(pc) =	sbr.abs _section_cstart, $3  }
0xc4: {  	[dreg:$0x1] =	wrdreg $0xFFFFFFFF  }
0xc5: {  	_ =	task.clear_ibuf [dreg:s9], $0x2FFFF;
	_ =	strace $0x9FFFFFFF  }
0xc6: {  	(tm) =	ssettm $0x7FFFFFFF  }
0xc7: {  	_ =	shalt  }
tec
execute0_lowered:
.L_overlay_start_1:
0x0: {  	(tag) =	ssettag $0x1  }
0x1: {  	s1 =	rddreg [dreg:$0x0]  }
0x2: {  	s2 =	rddreg [dreg:$0x1]  }
0x3: {  	s5 =	rddreg [dreg:$0x2];
	s3 =	srdreg.scid  }
0x4: {  	s0 =	stileid.u32;
	s7 =	rddreg [dreg:$0x3]  }
0x5: {  	v0 =	vlaneseq.u32;
	s10 =	simm.s32 $0x2780;
	s11 =	simm.s32 $0x50;
	s12 =	simm.s32 $0x4F00  }
0x6: {  	s13 =	simm.s32 $0x7700;
	s14 =	simm.s32 $0x1;
	s15 =	simm.s32 $0xC680;
	v0 =	vmul.u32 $0x11, v0  }
0x7: {  	s16 =	simm.s32 $0x9F00;
	s6 =	sand.u32 $0x1, s3;
	s4 =	sshll.u32 s0, $0x1  }
0x8: {  	s17 =	simm.s32 $0x0;
	s8 =	sor.u32 s6, s4;
	s4 =	simm.s32 $0x0;
	v1 =	vadd.s32 $0x1, v0;
	v2 =	vadd.s32 $0x2, v0;
	v3 =	vadd.s32 $0x3, v0  }
0x9: {  	s6 =	ssub.s32 $0x2, s6;
	s8 =	smul.u32 $0x4E2, s8;
	[smem:$0x7FF] =	sst s4;
	v4 =	vadd.s32 $0x4, v0;
	v5 =	vadd.s32 $0x5, v0;
	v6 =	vadd.s32 $0x6, v0  }
0xa: {  	s3 =	rddreg [dreg:$0x4];
	s9 =	sshrl.u32 s6, $0x1;
	v7 =	vadd.s32 $0x7, v0;
	v8 =	vadd.s32 $0x8, v0;
	v9 =	vadd.s32 $0x9, v0;
	_ =	strace $0x80000047  }
0xb: {  	v10 =	vadd.s32 $0xA, v0;
	v11 =	vadd.s32 $0xB, v0;
	v12 =	vadd.s32 $0xC, v0;
	s9 =	ssub.s32 s6, s9;
	s5 =	sadd.s32 s5, s8;
	s7 =	sadd.s32 s7, s8  }
0xc: {  	v13 =	vadd.s32 $0xD, v0;
	v14 =	vadd.s32 $0xE, v0;
	v15 =	vadd.s32 $0xF, v0;
	s8 =	smax.u32 s9, $0x1;
	s9 =	simm.s32 $0x2;
	s6 =	sadd.s32 $0x9E00, s5  }
.LBB2_1:
0xd: {  	[tilespmem:s4], [sflag:$0x2] =	stream.linear.gather [hbm4b:s6+s4], $0x2710, $0x38;
	[tilespmem:$0xC800] =	vst v63  }
0xe: {  	_ =	swait.ge [sflag:s9], $0x2710  }
0xf: {  	[sflag:s9] =	ssyncset.done $0x0  }
0x10: {  	[sflag:s9] =	ssyncadd.s32 $0xFFFFD8F0  }
0x11: {  	[tilespmem:s10], [sflag:$0x2] =	stream.linear.gather [hbm4b:s5+s4], $0x2710, $0x38;
	[tilespmem:$0xC800] =	vst v63  }
0x12: {  	_ =	swait.ge [sflag:s9], $0x2710  }
0x13: {  	[sflag:s9] =	ssyncset.done $0x0  }
0x14: {  	[sflag:s9] =	ssyncadd.s32 $0xFFFFD8F0  }
0x15: {  	[tilespmem:s12], [sflag:$0x1] =	stream.indirect.gather [hbm4b:s1+s11], $0x80, s4, s11, $0xb8;
	[tilespmem:$0xC800] =	vst v63  }
0x16: {  	_ = 	snop  }
0x17: {  	[tilespmem:s13], [sflag:$0x1] =	stream.indirect.gather [hbm4b:s2+s11], $0x80, s10, s11, $0xb8;
	[tilespmem:$0xC800] =	vst v63  }
0x18: {  	_ =	swait.ge [sflag:s14], $0x2800  }
0x19: {  	[sflag:s14] =	ssyncset.done $0x0  }
0x1a: {  	[sflag:s14] =	ssyncadd.s32 $0xFFFFD800  }
0x1b: {  	_ =	swait.ge [sflag:s14], $0x2800  }
0x1c: {  	[sflag:s14] =	ssyncset.done $0x0  }
0x1d: {  	s18 =	simm.s32 $0x0;
	[sflag:s14] =	ssyncadd.s32 $0xFFFFD800  }
.LBB2_2:
0x1e: {  	s19 =	smul.u32 $0x140, s18;
	_ =	sdelay $0x1  }
0x1f: {  	s19 =	sshra.s32 s19, $0x2  }
0x20: {  	s20 =	sadd.s32 $0x9F00, s19  }
0x21: {  	s19 =	simm.s32 $0x0;
	v16 =	vmov s20  }
.LBB2_3:
0x22: {  	s20 =	sshll.u32 s19, $0xB  }
0x23: {  	v17 =	vld [tilespmem:s20+$0x4F00]  }
0x24: {  	v18 =	vld [tilespmem:s20+$0x7700]  }
0x25: {  	v19 =	vld [tilespmem:s20+$0x4F10]  }
0x26: {  	v20 =	vld [tilespmem:s20+$0x7710]  }
0x27: {  	v21 =	vld [tilespmem:s20+$0x4F20]  }
0x28: {  	v22 =	vld [tilespmem:s20+$0x7720]  }
0x29: {  	v23 =	vld [tilespmem:s20+$0x4F30]  }
0x2a: {  	v24 =	vld [tilespmem:s20+$0x7730]  }
0x2b: {  	v25 =	vld [tilespmem:s20+$0x4F40]  }
0x2c: {  	v26 =	vld [tilespmem:s20+$0x7740]  }
0x2d: {  	v27 =	vld [tilespmem:s20+$0x4F50]  }
0x2e: {  	v28 =	vld [tilespmem:s20+$0x7750]  }
0x2f: {  	v29 =	vld [tilespmem:s20+$0x4F60]  }
0x30: {  	v30 =	vld [tilespmem:s20+$0x7760]  }
0x31: {  	v31 =	vld [tilespmem:s20+$0x4F70]  }
0x32: {  	v32 =	vld [tilespmem:s20+$0x7770];
	_ =	sdelay $0x1  }
0x33: {  	v17 =	vmul.f32 v18, v17;
	v18 =	vmul.f32 v20, v19  }
0x34: {  	v19 =	vmul.f32 v22, v21;
	v54 =	vmul.f32 v24, v23  }
0x35: {  	v55 =	vmul.f32 v26, v25;
	v56 =	vmul.f32 v28, v27  }
0x36: {  	v57 =	vmul.f32 v30, v29;
	v58 =	vmul.f32 v32, v31  }
0x37: {  	v17 =	vadd.f32 v18, v17;
	v18 =	vadd.f32 v54, v19  }
0x38: {  	v19 =	vadd.f32 v56, v55;
	v59 =	vadd.f32 v58, v57;
	_ =	sdelay $0x1  }
0x39: {  	v17 =	vadd.f32 v18, v17;
	v18 =	vadd.f32 v59, v19;
	_ =	sdelay $0x1  }
0x3a: {  	v17 =	vadd.f32 v18, v17;
	_ =	sdelay $0x1  }
0x3b: {  	[tilespmem:$0xC680] =	vst v17  }
0x3c: {  	v17 =	vld [tilespmem:s20+$0x4F80]  }
0x3d: {  	v18 =	vld [tilespmem:s20+$0x7780]  }
0x3e: {  	v19 =	vld [tilespmem:s20+$0x4F90]  }
0x3f: {  	v60 =	vld [tilespmem:s20+$0x7790]  }
0x40: {  	v61 =	vld [tilespmem:s20+$0x4FA0]  }
0x41: {  	v62 =	vld [tilespmem:s20+$0x77A0]  }
0x42: {  	v63 =	vld [tilespmem:s20+$0x4FB0]  }
0x43: {  	v36 =	vld [tilespmem:s20+$0x77B0]  }
0x44: {  	v37 =	vld [tilespmem:s20+$0x4FC0]  }
0x45: {  	v38 =	vld [tilespmem:s20+$0x77C0]  }
0x46: {  	v39 =	vld [tilespmem:s20+$0x4FD0]  }
0x47: {  	v40 =	vld [tilespmem:s20+$0x77D0]  }
0x48: {  	v41 =	vld [tilespmem:s20+$0x4FE0]  }
0x49: {  	v42 =	vld [tilespmem:s20+$0x77E0]  }
0x4a: {  	v43 =	vld [tilespmem:s20+$0x4FF0]  }
0x4b: {  	v44 =	vld [tilespmem:s20+$0x77F0];
	_ =	sdelay $0x1  }
0x4c: {  	v17 =	vmul.f32 v18, v17;
	v18 =	vmul.f32 v60, v19  }
0x4d: {  	v19 =	vmul.f32 v62, v61;
	v45 =	vmul.f32 v36, v63  }
0x4e: {  	v46 =	vmul.f32 v38, v37;
	v47 =	vmul.f32 v40, v39  }
0x4f: {  	v48 =	vmul.f32 v42, v41;
	v49 =	vmul.f32 v44, v43  }
0x50: {  	v17 =	vadd.f32 v18, v17;
	v18 =	vadd.f32 v45, v19  }
0x51: {  	v19 =	vadd.f32 v47, v46;
	v50 =	vadd.f32 v49, v48;
	_ =	sdelay $0x1  }
0x52: {  	v17 =	vadd.f32 v18, v17;
	v18 =	vadd.f32 v50, v19;
	_ =	sdelay $0x1  }
0x53: {  	v17 =	vadd.f32 v18, v17;
	_ =	sdelay $0x1  }
0x54: {  	[tilespmem:$0xC691] =	vst v17  }
0x55: {  	v17 =	vld [tilespmem:s20+$0x5000]  }
0x56: {  	v18 =	vld [tilespmem:s20+$0x7800]  }
0x57: {  	v19 =	vld [tilespmem:s20+$0x5010]  }
0x58: {  	v51 =	vld [tilespmem:s20+$0x7810]  }
0x59: {  	v52 =	vld [tilespmem:s20+$0x5020]  }
0x5a: {  	v53 =	vld [tilespmem:s20+$0x7820]  }
0x5b: {  	v54 =	vld [tilespmem:s20+$0x5030]  }
0x5c: {  	v55 =	vld [tilespmem:s20+$0x7830]  }
0x5d: {  	v56 =	vld [tilespmem:s20+$0x5040]  }
0x5e: {  	v57 =	vld [tilespmem:s20+$0x7840]  }
0x5f: {  	v58 =	vld [tilespmem:s20+$0x5050]  }
0x60: {  	v59 =	vld [tilespmem:s20+$0x7850]  }
0x61: {  	v60 =	vld [tilespmem:s20+$0x5060]  }
0x62: {  	v61 =	vld [tilespmem:s20+$0x7860]  }
0x63: {  	v62 =	vld [tilespmem:s20+$0x5070]  }
0x64: {  	v63 =	vld [tilespmem:s20+$0x7870];
	_ =	sdelay $0x1  }
0x65: {  	v17 =	vmul.f32 v18, v17;
	v18 =	vmul.f32 v51, v19  }
0x66: {  	v19 =	vmul.f32 v53, v52;
	v35 =	vmul.f32 v55, v54  }
0x67: {  	v36 =	vmul.f32 v57, v56;
	v37 =	vmul.f32 v59, v58  }
0x68: {  	v38 =	vmul.f32 v61, v60;
	v39 =	vmul.f32 v63, v62  }
0x69: {  	v17 =	vadd.f32 v18, v17;
	v18 =	vadd.f32 v35, v19  }
0x6a: {  	v19 =	vadd.f32 v37, v36;
	v40 =	vadd.f32 v39, v38;
	_ =	sdelay $0x1  }
0x6b: {  	v17 =	vadd.f32 v18, v17;
	v18 =	vadd.f32 v40, v19;
	_ =	sdelay $0x1  }
0x6c: {  	v17 =	vadd.f32 v18, v17;
	_ =	sdelay $0x1  }
0x6d: {  	[tilespmem:$0xC6A2] =	vst v17  }
0x6e: {  	v17 =	vld [tilespmem:s20+$0x5080]  }
0x6f: {  	v18 =	vld [tilespmem:s20+$0x7880]  }
0x70: {  	v19 =	vld [tilespmem:s20+$0x5090]  }
0x71: {  	v41 =	vld [tilespmem:s20+$0x7890]  }
0x72: {  	v42 =	vld [tilespmem:s20+$0x50A0]  }
0x73: {  	v43 =	vld [tilespmem:s20+$0x78A0]  }
0x74: {  	v44 =	vld [tilespmem:s20+$0x50B0]  }
0x75: {  	v45 =	vld [tilespmem:s20+$0x78B0]  }
0x76: {  	v46 =	vld [tilespmem:s20+$0x50C0]  }
0x77: {  	v47 =	vld [tilespmem:s20+$0x78C0]  }
0x78: {  	v48 =	vld [tilespmem:s20+$0x50D0]  }
0x79: {  	v49 =	vld [tilespmem:s20+$0x78D0]  }
0x7a: {  	v50 =	vld [tilespmem:s20+$0x50E0]  }
0x7b: {  	v51 =	vld [tilespmem:s20+$0x78E0]  }
0x7c: {  	v52 =	vld [tilespmem:s20+$0x50F0]  }
0x7d: {  	v53 =	vld [tilespmem:s20+$0x78F0];
	_ =	sdelay $0x1  }
0x7e: {  	v17 =	vmul.f32 v18, v17;
	v18 =	vmul.f32 v41, v19  }
0x7f: {  	v19 =	vmul.f32 v43, v42;
	v54 =	vmul.f32 v45, v44  }
0x80: {  	v55 =	vmul.f32 v47, v46;
	v56 =	vmul.f32 v49, v48  }
0x81: {  	v57 =	vmul.f32 v51, v50;
	v58 =	vmul.f32 v53, v52  }
0x82: {  	v17 =	vadd.f32 v18, v17;
	v18 =	vadd.f32 v54, v19  }
0x83: {  	v19 =	vadd.f32 v56, v55;
	v59 =	vadd.f32 v58, v57;
	_ =	sdelay $0x1  }
0x84: {  	v17 =	vadd.f32 v18, v17;
	v18 =	vadd.f32 v59, v19;
	_ =	sdelay $0x1  }
0x85: {  	v17 =	vadd.f32 v18, v17;
	_ =	sdelay $0x1  }
0x86: {  	[tilespmem:$0xC6B3] =	vst v17  }
0x87: {  	v17 =	vld [tilespmem:s20+$0x5100]  }
0x88: {  	v18 =	vld [tilespmem:s20+$0x7900]  }
0x89: {  	v19 =	vld [tilespmem:s20+$0x5110]  }
0x8a: {  	v60 =	vld [tilespmem:s20+$0x7910]  }
0x8b: {  	v61 =	vld [tilespmem:s20+$0x5120]  }
0x8c: {  	v62 =	vld [tilespmem:s20+$0x7920]  }
0x8d: {  	v63 =	vld [tilespmem:s20+$0x5130]  }
0x8e: {  	v36 =	vld [tilespmem:s20+$0x7930]  }
0x8f: {  	v37 =	vld [tilespmem:s20+$0x5140]  }
0x90: {  	v38 =	vld [tilespmem:s20+$0x7940]  }
0x91: {  	v39 =	vld [tilespmem:s20+$0x5150]  }
0x92: {  	v40 =	vld [tilespmem:s20+$0x7950]  }
0x93: {  	v41 =	vld [tilespmem:s20+$0x5160]  }
0x94: {  	v42 =	vld [tilespmem:s20+$0x7960]  }
0x95: {  	v43 =	vld [tilespmem:s20+$0x5170]  }
0x96: {  	v44 =	vld [tilespmem:s20+$0x7970];
	_ =	sdelay $0x1  }
0x97: {  	v17 =	vmul.f32 v18, v17;
	v18 =	vmul.f32 v60, v19  }
0x98: {  	v19 =	vmul.f32 v62, v61;
	v45 =	vmul.f32 v36, v63  }
0x99: {  	v46 =	vmul.f32 v38, v37;
	v47 =	vmul.f32 v40, v39  }
0x9a: {  	v48 =	vmul.f32 v42, v41;
	v49 =	vmul.f32 v44, v43  }
0x9b: {  	v17 =	vadd.f32 v18, v17;
	v18 =	vadd.f32 v45, v19  }
0x9c: {  	v19 =	vadd.f32 v47, v46;
	v50 =	vadd.f32 v49, v48;
	_ =	sdelay $0x1  }
0x9d: {  	v17 =	vadd.f32 v18, v17;
	v18 =	vadd.f32 v50, v19;
	_ =	sdelay $0x1  }
0x9e: {  	v17 =	vadd.f32 v18, v17;
	_ =	sdelay $0x1  }
0x9f: {  	[tilespmem:$0xC6C4] =	vst v17  }
0xa0: {  	v17 =	vld [tilespmem:s20+$0x5180]  }
0xa1: {  	v18 =	vld [tilespmem:s20+$0x7980]  }
0xa2: {  	v19 =	vld [tilespmem:s20+$0x5190]  }
0xa3: {  	v51 =	vld [tilespmem:s20+$0x7990]  }
0xa4: {  	v52 =	vld [tilespmem:s20+$0x51A0]  }
0xa5: {  	v53 =	vld [tilespmem:s20+$0x79A0]  }
0xa6: {  	v54 =	vld [tilespmem:s20+$0x51B0]  }
0xa7: {  	v55 =	vld [tilespmem:s20+$0x79B0]  }
0xa8: {  	v56 =	vld [tilespmem:s20+$0x51C0]  }
0xa9: {  	v57 =	vld [tilespmem:s20+$0x79C0]  }
0xaa: {  	v58 =	vld [tilespmem:s20+$0x51D0]  }
0xab: {  	v59 =	vld [tilespmem:s20+$0x79D0]  }
0xac: {  	v60 =	vld [tilespmem:s20+$0x51E0]  }
0xad: {  	v61 =	vld [tilespmem:s20+$0x79E0]  }
0xae: {  	v62 =	vld [tilespmem:s20+$0x51F0]  }
0xaf: {  	v63 =	vld [tilespmem:s20+$0x79F0];
	_ =	sdelay $0x1  }
0xb0: {  	v17 =	vmul.f32 v18, v17;
	v18 =	vmul.f32 v51, v19  }
0xb1: {  	v19 =	vmul.f32 v53, v52;
	v35 =	vmul.f32 v55, v54  }
0xb2: {  	v36 =	vmul.f32 v57, v56;
	v37 =	vmul.f32 v59, v58  }
0xb3: {  	v38 =	vmul.f32 v61, v60;
	v39 =	vmul.f32 v63, v62  }
0xb4: {  	v17 =	vadd.f32 v18, v17;
	v18 =	vadd.f32 v35, v19  }
0xb5: {  	v19 =	vadd.f32 v37, v36;
	v40 =	vadd.f32 v39, v38;
	_ =	sdelay $0x1  }
0xb6: {  	v17 =	vadd.f32 v18, v17;
	v18 =	vadd.f32 v40, v19;
	_ =	sdelay $0x1  }
0xb7: {  	v17 =	vadd.f32 v18, v17;
	_ =	sdelay $0x1  }
0xb8: {  	[tilespmem:$0xC6D5] =	vst v17  }
0xb9: {  	v17 =	vld [tilespmem:s20+$0x5200]  }
0xba: {  	v18 =	vld [tilespmem:s20+$0x7A00]  }
0xbb: {  	v19 =	vld [tilespmem:s20+$0x5210]  }
0xbc: {  	v41 =	vld [tilespmem:s20+$0x7A10]  }
0xbd: {  	v42 =	vld [tilespmem:s20+$0x5220]  }
0xbe: {  	v43 =	vld [tilespmem:s20+$0x7A20]  }
0xbf: {  	v44 =	vld [tilespmem:s20+$0x5230]  }
0xc0: {  	v45 =	vld [tilespmem:s20+$0x7A30]  }
0xc1: {  	v46 =	vld [tilespmem:s20+$0x5240]  }
0xc2: {  	v47 =	vld [tilespmem:s20+$0x7A40]  }
0xc3: {  	v48 =	vld [tilespmem:s20+$0x5250]  }
0xc4: {  	v49 =	vld [tilespmem:s20+$0x7A50]  }
0xc5: {  	v50 =	vld [tilespmem:s20+$0x5260]  }
0xc6: {  	v51 =	vld [tilespmem:s20+$0x7A60]  }
0xc7: {  	v52 =	vld [tilespmem:s20+$0x5270]  }
0xc8: {  	v53 =	vld [tilespmem:s20+$0x7A70];
	_ =	sdelay $0x1  }
0xc9: {  	v17 =	vmul.f32 v18, v17;
	v18 =	vmul.f32 v41, v19  }
0xca: {  	v19 =	vmul.f32 v43, v42;
	v54 =	vmul.f32 v45, v44  }
0xcb: {  	v55 =	vmul.f32 v47, v46;
	v56 =	vmul.f32 v49, v48  }
0xcc: {  	v57 =	vmul.f32 v51, v50;
	v58 =	vmul.f32 v53, v52  }
0xcd: {  	v17 =	vadd.f32 v18, v17;
	v18 =	vadd.f32 v54, v19  }
0xce: {  	v19 =	vadd.f32 v56, v55;
	v59 =	vadd.f32 v58, v57;
	_ =	sdelay $0x1  }
0xcf: {  	v17 =	vadd.f32 v18, v17;
	v18 =	vadd.f32 v59, v19;
	_ =	sdelay $0x1  }
0xd0: {  	v17 =	vadd.f32 v18, v17;
	_ =	sdelay $0x1  }
0xd1: {  	[tilespmem:$0xC6E6] =	vst v17  }
0xd2: {  	v17 =	vld [tilespmem:s20+$0x5280]  }
0xd3: {  	v18 =	vld [tilespmem:s20+$0x7A80]  }
0xd4: {  	v19 =	vld [tilespmem:s20+$0x5290]  }
0xd5: {  	v60 =	vld [tilespmem:s20+$0x7A90]  }
0xd6: {  	v61 =	vld [tilespmem:s20+$0x52A0]  }
0xd7: {  	v62 =	vld [tilespmem:s20+$0x7AA0]  }
0xd8: {  	v63 =	vld [tilespmem:s20+$0x52B0]  }
0xd9: {  	v36 =	vld [tilespmem:s20+$0x7AB0]  }
0xda: {  	v37 =	vld [tilespmem:s20+$0x52C0]  }
0xdb: {  	v38 =	vld [tilespmem:s20+$0x7AC0]  }
0xdc: {  	v39 =	vld [tilespmem:s20+$0x52D0]  }
0xdd: {  	v40 =	vld [tilespmem:s20+$0x7AD0]  }
0xde: {  	v41 =	vld [tilespmem:s20+$0x52E0]  }
0xdf: {  	v42 =	vld [tilespmem:s20+$0x7AE0]  }
0xe0: {  	v43 =	vld [tilespmem:s20+$0x52F0]  }
0xe1: {  	v44 =	vld [tilespmem:s20+$0x7AF0];
	_ =	sdelay $0x1  }
0xe2: {  	v17 =	vmul.f32 v18, v17;
	v18 =	vmul.f32 v60, v19  }
0xe3: {  	v19 =	vmul.f32 v62, v61;
	v45 =	vmul.f32 v36, v63  }
0xe4: {  	v46 =	vmul.f32 v38, v37;
	v47 =	vmul.f32 v40, v39  }
0xe5: {  	v48 =	vmul.f32 v42, v41;
	v49 =	vmul.f32 v44, v43  }
0xe6: {  	v17 =	vadd.f32 v18, v17;
	v18 =	vadd.f32 v45, v19  }
0xe7: {  	v19 =	vadd.f32 v47, v46;
	v50 =	vadd.f32 v49, v48;
	_ =	sdelay $0x1  }
0xe8: {  	v17 =	vadd.f32 v18, v17;
	v18 =	vadd.f32 v50, v19;
	_ =	sdelay $0x1  }
0xe9: {  	v17 =	vadd.f32 v18, v17;
	_ =	sdelay $0x1  }
0xea: {  	[tilespmem:$0xC6F7] =	vst v17  }
0xeb: {  	v17 =	vld [tilespmem:s20+$0x5300]  }
0xec: {  	v18 =	vld [tilespmem:s20+$0x7B00]  }
0xed: {  	v19 =	vld [tilespmem:s20+$0x5310]  }
0xee: {  	v51 =	vld [tilespmem:s20+$0x7B10]  }
0xef: {  	v52 =	vld [tilespmem:s20+$0x5320]  }
0xf0: {  	v53 =	vld [tilespmem:s20+$0x7B20]  }
0xf1: {  	v54 =	vld [tilespmem:s20+$0x5330]  }
0xf2: {  	v55 =	vld [tilespmem:s20+$0x7B30]  }
0xf3: {  	v56 =	vld [tilespmem:s20+$0x5340]  }
0xf4: {  	v57 =	vld [tilespmem:s20+$0x7B40]  }
0xf5: {  	v58 =	vld [tilespmem:s20+$0x5350]  }
0xf6: {  	v59 =	vld [tilespmem:s20+$0x7B50]  }
0xf7: {  	v60 =	vld [tilespmem:s20+$0x5360]  }
0xf8: {  	v61 =	vld [tilespmem:s20+$0x7B60]  }
0xf9: {  	v62 =	vld [tilespmem:s20+$0x5370]  }
0xfa: {  	v63 =	vld [tilespmem:s20+$0x7B70];
	_ =	sdelay $0x1  }
0xfb: {  	v17 =	vmul.f32 v18, v17;
	v18 =	vmul.f32 v51, v19  }
0xfc: {  	v19 =	vmul.f32 v53, v52;
	v35 =	vmul.f32 v55, v54  }
0xfd: {  	v36 =	vmul.f32 v57, v56;
	v37 =	vmul.f32 v59, v58  }
0xfe: {  	v38 =	vmul.f32 v61, v60;
	v39 =	vmul.f32 v63, v62  }
0xff: {  	v17 =	vadd.f32 v18, v17;
	v18 =	vadd.f32 v35, v19  }
0x100: {  	v19 =	vadd.f32 v37, v36;
	v40 =	vadd.f32 v39, v38;
	_ =	sdelay $0x1  }
0x101: {  	v17 =	vadd.f32 v18, v17;
	v18 =	vadd.f32 v40, v19;
	_ =	sdelay $0x1  }
0x102: {  	v17 =	vadd.f32 v18, v17;
	_ =	sdelay $0x1  }
0x103: {  	[tilespmem:$0xC708] =	vst v17  }
0x104: {  	v17 =	vld [tilespmem:s20+$0x5380]  }
0x105: {  	v18 =	vld [tilespmem:s20+$0x7B80]  }
0x106: {  	v19 =	vld [tilespmem:s20+$0x5390]  }
0x107: {  	v41 =	vld [tilespmem:s20+$0x7B90]  }
0x108: {  	v42 =	vld [tilespmem:s20+$0x53A0]  }
0x109: {  	v43 =	vld [tilespmem:s20+$0x7BA0]  }
0x10a: {  	v44 =	vld [tilespmem:s20+$0x53B0]  }
0x10b: {  	v45 =	vld [tilespmem:s20+$0x7BB0]  }
0x10c: {  	v46 =	vld [tilespmem:s20+$0x53C0]  }
0x10d: {  	v47 =	vld [tilespmem:s20+$0x7BC0]  }
0x10e: {  	v48 =	vld [tilespmem:s20+$0x53D0]  }
0x10f: {  	v49 =	vld [tilespmem:s20+$0x7BD0]  }
0x110: {  	v50 =	vld [tilespmem:s20+$0x53E0]  }
0x111: {  	v51 =	vld [tilespmem:s20+$0x7BE0]  }
0x112: {  	v52 =	vld [tilespmem:s20+$0x53F0]  }
0x113: {  	v53 =	vld [tilespmem:s20+$0x7BF0];
	_ =	sdelay $0x1  }
0x114: {  	v17 =	vmul.f32 v18, v17;
	v18 =	vmul.f32 v41, v19  }
0x115: {  	v19 =	vmul.f32 v43, v42;
	v54 =	vmul.f32 v45, v44  }
0x116: {  	v55 =	vmul.f32 v47, v46;
	v56 =	vmul.f32 v49, v48  }
0x117: {  	v57 =	vmul.f32 v51, v50;
	v58 =	vmul.f32 v53, v52  }
0x118: {  	v17 =	vadd.f32 v18, v17;
	v18 =	vadd.f32 v54, v19  }
0x119: {  	v19 =	vadd.f32 v56, v55;
	v59 =	vadd.f32 v58, v57;
	_ =	sdelay $0x1  }
0x11a: {  	v17 =	vadd.f32 v18, v17;
	v18 =	vadd.f32 v59, v19;
	_ =	sdelay $0x1  }
0x11b: {  	v17 =	vadd.f32 v18, v17;
	_ =	sdelay $0x1  }
0x11c: {  	[tilespmem:$0xC719] =	vst v17  }
0x11d: {  	v17 =	vld [tilespmem:s20+$0x5400]  }
0x11e: {  	v18 =	vld [tilespmem:s20+$0x7C00]  }
0x11f: {  	v19 =	vld [tilespmem:s20+$0x5410]  }
0x120: {  	v60 =	vld [tilespmem:s20+$0x7C10]  }
0x121: {  	v61 =	vld [tilespmem:s20+$0x5420]  }
0x122: {  	v62 =	vld [tilespmem:s20+$0x7C20]  }
0x123: {  	v63 =	vld [tilespmem:s20+$0x5430]  }
0x124: {  	v36 =	vld [tilespmem:s20+$0x7C30]  }
0x125: {  	v37 =	vld [tilespmem:s20+$0x5440]  }
0x126: {  	v38 =	vld [tilespmem:s20+$0x7C40]  }
0x127: {  	v39 =	vld [tilespmem:s20+$0x5450]  }
0x128: {  	v40 =	vld [tilespmem:s20+$0x7C50]  }
0x129: {  	v41 =	vld [tilespmem:s20+$0x5460]  }
0x12a: {  	v42 =	vld [tilespmem:s20+$0x7C60]  }
0x12b: {  	v43 =	vld [tilespmem:s20+$0x5470]  }
0x12c: {  	v44 =	vld [tilespmem:s20+$0x7C70];
	_ =	sdelay $0x1  }
0x12d: {  	v17 =	vmul.f32 v18, v17;
	v18 =	vmul.f32 v60, v19  }
0x12e: {  	v19 =	vmul.f32 v62, v61;
	v45 =	vmul.f32 v36, v63  }
0x12f: {  	v46 =	vmul.f32 v38, v37;
	v47 =	vmul.f32 v40, v39  }
0x130: {  	v48 =	vmul.f32 v42, v41;
	v49 =	vmul.f32 v44, v43  }
0x131: {  	v17 =	vadd.f32 v18, v17;
	v18 =	vadd.f32 v45, v19  }
0x132: {  	v19 =	vadd.f32 v47, v46;
	v50 =	vadd.f32 v49, v48;
	_ =	sdelay $0x1  }
0x133: {  	v17 =	vadd.f32 v18, v17;
	v18 =	vadd.f32 v50, v19;
	_ =	sdelay $0x1  }
0x134: {  	v17 =	vadd.f32 v18, v17;
	_ =	sdelay $0x1  }
0x135: {  	[tilespmem:$0xC72A] =	vst v17  }
0x136: {  	v17 =	vld [tilespmem:s20+$0x5480]  }
0x137: {  	v18 =	vld [tilespmem:s20+$0x7C80]  }
0x138: {  	v19 =	vld [tilespmem:s20+$0x5490]  }
0x139: {  	v51 =	vld [tilespmem:s20+$0x7C90]  }
0x13a: {  	v52 =	vld [tilespmem:s20+$0x54A0]  }
0x13b: {  	v53 =	vld [tilespmem:s20+$0x7CA0]  }
0x13c: {  	v54 =	vld [tilespmem:s20+$0x54B0]  }
0x13d: {  	v55 =	vld [tilespmem:s20+$0x7CB0]  }
0x13e: {  	v56 =	vld [tilespmem:s20+$0x54C0]  }
0x13f: {  	v57 =	vld [tilespmem:s20+$0x7CC0]  }
0x140: {  	v58 =	vld [tilespmem:s20+$0x54D0]  }
0x141: {  	v59 =	vld [tilespmem:s20+$0x7CD0]  }
0x142: {  	v60 =	vld [tilespmem:s20+$0x54E0]  }
0x143: {  	v61 =	vld [tilespmem:s20+$0x7CE0]  }
0x144: {  	v62 =	vld [tilespmem:s20+$0x54F0]  }
0x145: {  	v63 =	vld [tilespmem:s20+$0x7CF0];
	_ =	sdelay $0x1  }
0x146: {  	v17 =	vmul.f32 v18, v17;
	v18 =	vmul.f32 v51, v19  }
0x147: {  	v19 =	vmul.f32 v53, v52;
	v35 =	vmul.f32 v55, v54  }
0x148: {  	v36 =	vmul.f32 v57, v56;
	v37 =	vmul.f32 v59, v58  }
0x149: {  	v38 =	vmul.f32 v61, v60;
	v39 =	vmul.f32 v63, v62  }
0x14a: {  	v17 =	vadd.f32 v18, v17;
	v18 =	vadd.f32 v35, v19  }
0x14b: {  	v19 =	vadd.f32 v37, v36;
	v40 =	vadd.f32 v39, v38;
	_ =	sdelay $0x1  }
0x14c: {  	v17 =	vadd.f32 v18, v17;
	v18 =	vadd.f32 v40, v19;
	_ =	sdelay $0x1  }
0x14d: {  	v17 =	vadd.f32 v18, v17;
	_ =	sdelay $0x1  }
0x14e: {  	[tilespmem:$0xC73B] =	vst v17  }
0x14f: {  	v17 =	vld [tilespmem:s20+$0x5500]  }
0x150: {  	v18 =	vld [tilespmem:s20+$0x7D00]  }
0x151: {  	v19 =	vld [tilespmem:s20+$0x5510]  }
0x152: {  	v41 =	vld [tilespmem:s20+$0x7D10]  }
0x153: {  	v42 =	vld [tilespmem:s20+$0x5520]  }
0x154: {  	v43 =	vld [tilespmem:s20+$0x7D20]  }
0x155: {  	v44 =	vld [tilespmem:s20+$0x5530]  }
0x156: {  	v45 =	vld [tilespmem:s20+$0x7D30]  }
0x157: {  	v46 =	vld [tilespmem:s20+$0x5540]  }
0x158: {  	v47 =	vld [tilespmem:s20+$0x7D40]  }
0x159: {  	v48 =	vld [tilespmem:s20+$0x5550]  }
0x15a: {  	v49 =	vld [tilespmem:s20+$0x7D50]  }
0x15b: {  	v50 =	vld [tilespmem:s20+$0x5560]  }
0x15c: {  	v51 =	vld [tilespmem:s20+$0x7D60]  }
0x15d: {  	v52 =	vld [tilespmem:s20+$0x5570]  }
0x15e: {  	v53 =	vld [tilespmem:s20+$0x7D70];
	_ =	sdelay $0x1  }
0x15f: {  	v17 =	vmul.f32 v18, v17;
	v18 =	vmul.f32 v41, v19  }
0x160: {  	v19 =	vmul.f32 v43, v42;
	v54 =	vmul.f32 v45, v44  }
0x161: {  	v55 =	vmul.f32 v47, v46;
	v56 =	vmul.f32 v49, v48  }
0x162: {  	v57 =	vmul.f32 v51, v50;
	v58 =	vmul.f32 v53, v52  }
0x163: {  	v17 =	vadd.f32 v18, v17;
	v18 =	vadd.f32 v54, v19  }
0x164: {  	v19 =	vadd.f32 v56, v55;
	v59 =	vadd.f32 v58, v57;
	_ =	sdelay $0x1  }
0x165: {  	v17 =	vadd.f32 v18, v17;
	v18 =	vadd.f32 v59, v19;
	_ =	sdelay $0x1  }
0x166: {  	v17 =	vadd.f32 v18, v17;
	_ =	sdelay $0x1  }
0x167: {  	[tilespmem:$0xC74C] =	vst v17  }
0x168: {  	v17 =	vld [tilespmem:s20+$0x5580]  }
0x169: {  	v18 =	vld [tilespmem:s20+$0x7D80]  }
0x16a: {  	v19 =	vld [tilespmem:s20+$0x5590]  }
0x16b: {  	v60 =	vld [tilespmem:s20+$0x7D90]  }
0x16c: {  	v61 =	vld [tilespmem:s20+$0x55A0]  }
0x16d: {  	v62 =	vld [tilespmem:s20+$0x7DA0]  }
0x16e: {  	v63 =	vld [tilespmem:s20+$0x55B0]  }
0x16f: {  	v36 =	vld [tilespmem:s20+$0x7DB0]  }
0x170: {  	v37 =	vld [tilespmem:s20+$0x55C0]  }
0x171: {  	v38 =	vld [tilespmem:s20+$0x7DC0]  }
0x172: {  	v39 =	vld [tilespmem:s20+$0x55D0]  }
0x173: {  	v40 =	vld [tilespmem:s20+$0x7DD0]  }
0x174: {  	v41 =	vld [tilespmem:s20+$0x55E0]  }
0x175: {  	v42 =	vld [tilespmem:s20+$0x7DE0]  }
0x176: {  	v43 =	vld [tilespmem:s20+$0x55F0]  }
0x177: {  	v44 =	vld [tilespmem:s20+$0x7DF0];
	_ =	sdelay $0x1  }
0x178: {  	v17 =	vmul.f32 v18, v17;
	v18 =	vmul.f32 v60, v19  }
0x179: {  	v19 =	vmul.f32 v62, v61;
	v45 =	vmul.f32 v36, v63  }
0x17a: {  	v46 =	vmul.f32 v38, v37;
	v47 =	vmul.f32 v40, v39  }
0x17b: {  	v48 =	vmul.f32 v42, v41;
	v49 =	vmul.f32 v44, v43  }
0x17c: {  	v17 =	vadd.f32 v18, v17;
	v18 =	vadd.f32 v45, v19  }
0x17d: {  	v19 =	vadd.f32 v47, v46;
	v50 =	vadd.f32 v49, v48;
	_ =	sdelay $0x1  }
0x17e: {  	v17 =	vadd.f32 v18, v17;
	v18 =	vadd.f32 v50, v19;
	_ =	sdelay $0x1  }
0x17f: {  	v17 =	vadd.f32 v18, v17;
	_ =	sdelay $0x1  }
0x180: {  	[tilespmem:$0xC75D] =	vst v17  }
0x181: {  	v17 =	vld [tilespmem:s20+$0x5600]  }
0x182: {  	v18 =	vld [tilespmem:s20+$0x7E00]  }
0x183: {  	v19 =	vld [tilespmem:s20+$0x5610]  }
0x184: {  	v51 =	vld [tilespmem:s20+$0x7E10]  }
0x185: {  	v52 =	vld [tilespmem:s20+$0x5620]  }
0x186: {  	v53 =	vld [tilespmem:s20+$0x7E20]  }
0x187: {  	v54 =	vld [tilespmem:s20+$0x5630]  }
0x188: {  	v55 =	vld [tilespmem:s20+$0x7E30]  }
0x189: {  	v56 =	vld [tilespmem:s20+$0x5640]  }
0x18a: {  	v57 =	vld [tilespmem:s20+$0x7E40]  }
0x18b: {  	v58 =	vld [tilespmem:s20+$0x5650]  }
0x18c: {  	v59 =	vld [tilespmem:s20+$0x7E50]  }
0x18d: {  	v60 =	vld [tilespmem:s20+$0x5660]  }
0x18e: {  	v61 =	vld [tilespmem:s20+$0x7E60]  }
0x18f: {  	v62 =	vld [tilespmem:s20+$0x5670]  }
0x190: {  	v63 =	vld [tilespmem:s20+$0x7E70];
	_ =	sdelay $0x1  }
0x191: {  	v17 =	vmul.f32 v18, v17;
	v18 =	vmul.f32 v51, v19  }
0x192: {  	v19 =	vmul.f32 v53, v52;
	v34 =	vmul.f32 v55, v54  }
0x193: {  	v35 =	vmul.f32 v57, v56;
	v36 =	vmul.f32 v59, v58  }
0x194: {  	v37 =	vmul.f32 v61, v60;
	v38 =	vmul.f32 v63, v62  }
0x195: {  	v17 =	vadd.f32 v18, v17;
	v18 =	vadd.f32 v34, v19  }
0x196: {  	v19 =	vadd.f32 v36, v35;
	v39 =	vadd.f32 v38, v37;
	_ =	sdelay $0x1  }
0x197: {  	v17 =	vadd.f32 v18, v17;
	v18 =	vadd.f32 v39, v19;
	_ =	sdelay $0x1  }
0x198: {  	v17 =	vadd.f32 v18, v17;
	_ =	sdelay $0x1  }
0x199: {  	[tilespmem:$0xC76E] =	vst v17  }
0x19a: {  	v17 =	vld [tilespmem:s20+$0x5680]  }
0x19b: {  	v18 =	vld [tilespmem:s20+$0x7E80]  }
0x19c: {  	v19 =	vld [tilespmem:s20+$0x5690]  }
0x19d: {  	v40 =	vld [tilespmem:s20+$0x7E90]  }
0x19e: {  	v41 =	vld [tilespmem:s20+$0x56A0]  }
0x19f: {  	v42 =	vld [tilespmem:s20+$0x7EA0]  }
0x1a0: {  	v43 =	vld [tilespmem:s20+$0x56B0]  }
0x1a1: {  	v44 =	vld [tilespmem:s20+$0x7EB0]  }
0x1a2: {  	v45 =	vld [tilespmem:s20+$0x56C0]  }
0x1a3: {  	v46 =	vld [tilespmem:s20+$0x7EC0]  }
0x1a4: {  	v47 =	vld [tilespmem:s20+$0x56D0]  }
0x1a5: {  	v48 =	vld [tilespmem:s20+$0x7ED0]  }
0x1a6: {  	v49 =	vld [tilespmem:s20+$0x56E0]  }
0x1a7: {  	v50 =	vld [tilespmem:s20+$0x7EE0]  }
0x1a8: {  	v51 =	vld [tilespmem:s20+$0x56F0]  }
0x1a9: {  	v52 =	vld [tilespmem:s20+$0x7EF0];
	_ =	sdelay $0x1  }
0x1aa: {  	v17 =	vmul.f32 v18, v17;
	v18 =	vmul.f32 v40, v19  }
0x1ab: {  	v19 =	vmul.f32 v42, v41;
	v53 =	vmul.f32 v44, v43  }
0x1ac: {  	v54 =	vmul.f32 v46, v45;
	v55 =	vmul.f32 v48, v47  }
0x1ad: {  	v56 =	vmul.f32 v50, v49;
	v57 =	vmul.f32 v52, v51  }
0x1ae: {  	v17 =	vadd.f32 v18, v17;
	v18 =	vadd.f32 v53, v19  }
0x1af: {  	v19 =	vadd.f32 v55, v54;
	v58 =	vadd.f32 v57, v56;
	_ =	sdelay $0x1  }
0x1b0: {  	v17 =	vadd.f32 v18, v17;
	v18 =	vadd.f32 v58, v19;
	_ =	sdelay $0x1  }
0x1b1: {  	v17 =	vadd.f32 v18, v17;
	_ =	sdelay $0x1  }
0x1b2: {  	[tilespmem:$0xC77F] =	vst v17  }
0x1b3: {  	v17 =	vld.idx.msk [tilespmem:v0+s15+$0x0], $0xffff  }
0x1b4: {  	v18 =	vld.idx.msk [tilespmem:v1+s15+$0x0], $0xffff;
	_ =	sdelay $0x1  }
0x1b5: {  	v19 =	vld.idx.msk [tilespmem:v2+s15+$0x0], $0xffff;
	_ =	sdelay $0x1  }
0x1b6: {  	v59 =	vld.idx.msk [tilespmem:v3+s15+$0x0], $0xffff  }
0x1b7: {  	v17 =	vadd.f32 v18, v17  }
0x1b8: {  	v18 =	vld.idx.msk [tilespmem:v4+s15+$0x0], $0xffff  }
0x1b9: {  	v17 =	vadd.f32 v19, v17  }
0x1ba: {  	v19 =	vld.idx.msk [tilespmem:v5+s15+$0x0], $0xffff  }
0x1bb: {  	v17 =	vadd.f32 v59, v17  }
0x1bc: {  	v60 =	vld.idx.msk [tilespmem:v6+s15+$0x0], $0xffff  }
0x1bd: {  	v17 =	vadd.f32 v18, v17  }
0x1be: {  	v18 =	vld.idx.msk [tilespmem:v7+s15+$0x0], $0xffff  }
0x1bf: {  	v17 =	vadd.f32 v19, v17  }
0x1c0: {  	v19 =	vld.idx.msk [tilespmem:v8+s15+$0x0], $0xffff  }
0x1c1: {  	v17 =	vadd.f32 v60, v17  }
0x1c2: {  	v61 =	vld.idx.msk [tilespmem:v9+s15+$0x0], $0xffff  }
0x1c3: {  	v17 =	vadd.f32 v18, v17  }
0x1c4: {  	v18 =	vld.idx.msk [tilespmem:v10+s15+$0x0], $0xffff  }
0x1c5: {  	v17 =	vadd.f32 v19, v17  }
0x1c6: {  	v19 =	vld.idx.msk [tilespmem:v11+s15+$0x0], $0xffff  }
0x1c7: {  	v17 =	vadd.f32 v61, v17  }
0x1c8: {  	v62 =	vld.idx.msk [tilespmem:v12+s15+$0x0], $0xffff  }
0x1c9: {  	v17 =	vadd.f32 v18, v17  }
0x1ca: {  	v18 =	vld.idx.msk [tilespmem:v13+s15+$0x0], $0xffff  }
0x1cb: {  	v17 =	vadd.f32 v19, v17  }
0x1cc: {  	v19 =	vld.idx.msk [tilespmem:v14+s15+$0x0], $0xffff  }
0x1cd: {  	v17 =	vadd.f32 v62, v17  }
0x1ce: {  	v63 =	vld.idx.msk [tilespmem:v15+s15+$0x0], $0xffff  }
0x1cf: {  	v17 =	vadd.f32 v18, v17  }
0x1d0: {  	p0 =	sne.s32 s19, $0x4  }
.Ltmp0:
0x1d1: {  	v17 =	vadd.f32 v19, v17;
	(pc) =	sbr.rel @p0 .LBB2_3-.Ltmp0, $4  }
0x1d2: {  	_ = 	snop  }
0x1d3: {  	s31 =	sshll.u32 s19, $0x4;
	v17 =	vadd.f32 v63, v17  }
0x1d4: {  	s20 =	sand.u32 $0x3FFFFFF0, s31  }
0x1d5: {  	s19 =	sadd.s32 $0x1, s19;
	[tilespmem:v16+s20+$0x0 ss:$0x1] =	vst.idx.msk $0xffff, v17  }
0x1d6: {  	s18 =	sadd.s32 $0x1, s18  }
0x1d7: {  	p0 =	sne.s32 s18, $0x7D  }
.Ltmp1:
0x1d8: {  	_ = 	snop;
	(pc) =	sbr.rel @p0 .LBB2_2-.Ltmp1, $1  }
0x1d9: {  	_ =	sdelay $0x3  }
0x1da: {  	s17 =	sadd.s32 $0x1, s17  }
0x1db: {  	p0 =	sne.s32 s17, s8  }
.Ltmp2:
0x1dc: {  	_ = 	snop;
	(pc) =	sbr.rel @p0 .LBB2_1-.Ltmp2, $4  }
0x1dd: {  	[hbm4b:s7+s4] =	stream.linear.scatter [tilespmem:s16], [sflag:$0x2], $0x2710, $0x38;
	[tilespmem:$0xC800] =	vst v63  }
0x1de: {  	_ =	swait.ge [sflag:s9], $0x2710  }
0x1df: {  	[sflag:s9] =	ssyncset.done $0x0  }
0x1e0: {  	[sflag:s9] =	ssyncadd.s32 $0xFFFFD8F0  }
0x1e1: {  	_ =	sfence.sel $0x180000  }
0x1e2: {  	[bflag:$0x0] =	sbarrier.arrive $0xFFFF  }
0x1e3: {  	p0 =	sne.s32 s0, $0x0;
	_ =	strace $0x90000047  }
0x1e4: {  	s0 =	sadd.s32 @!p0 $0x100000, s3;
	[bflag:$0x2] =	sbarrier.arrive $0xFFFF  }
0x1e5: {  	[sflag:s0] =	ssyncadd.tile.s32 @!p0 $0x1;
	_ =	shalt  }
.Lfunc_end2:
_tile_overlayer_lowered:
.L_overlay_start_2:
0x1e6: {  	(tag) =	ssettag $0x2  }
0x1e7: {  	s0 =	rddreg [dreg:$0x0];
	s2 =	stileid.u32  }
0x1e8: {  	s1 =	rddreg [dreg:$0x1];
	p0 =	sne.s32 s2, $0x0  }
0x1e9: {  	s3 =	rddreg [dreg:$0x2];
	[bflag:$0x3] =	sbarrier.arrive $0xFFFF;
	s2 =	simm.s32 @!p0 $0x1C02  }
0x1ea: {  	[timem:s3], [sflag:s2] =	dma.local @!p0 [hbm:s0], s1  }
0x1eb: {  	s0 =	simm.s32 @!p0 $0x2  }
0x1ec: {  	_ =	swait.ge @!p0 [sflag:s0], s1  }
0x1ed: {  	s1 =	ssub.s32 @!p0 $0x0, s1;
	[sflag:s0] =	ssyncset.done @!p0 $0x0  }
0x1ee: {  	[sflag:s0] =	ssyncadd.s32 @!p0 s1  }
0x1ef: {  	[bflag:$0x3] =	sbarrier.arrive $0xFFFF  }
0x1f0: {  	_ =	shalt  }

</sc_bundles>
